<compile_context>
chip_gen: v7x
topology: tpu7x:2x2x1
jax: 0.10.2.dev20260603
libtpu: 0.0.44.dev20260713+nightly
codegen_flags: <defaults>
</compile_context>

<pallas_src>
import functools

import jax
import jax.numpy as jnp
from jax import lax
from jax.experimental import pallas as pl
from jax.experimental.pallas import tpu as pltpu
from jax.experimental.pallas import tpu_sc as plsc

N = 50000
E = 800000
V = 100000
D = 128
H = 64
B = 64

NC = 2
NS = 16
CH = 128

E_PAD = 802816
ACC_ROWS = 50048
ROWS_PER_TILE_INIT = ACC_ROWS // NS
ROWS_PER_TILE_OUT = ACC_ROWS // NS
GN_PAD = 53248

f32 = jnp.float32
i32 = jnp.int32



def _sc_deg_body(didx_hbm, zeros_hbm, out_hbm, ones_v, idxd_v, acc):
    c = lax.axis_index("c")
    s = lax.axis_index("s")

    def fill(i, carry):
        ones_v[i] = jnp.ones((16,), f32)
        return carry

    lax.fori_loop(0, CH, fill, 0)
    pltpu.sync_copy(
        zeros_hbm.at[pl.ds(s * ROWS_PER_TILE_INIT, ROWS_PER_TILE_INIT)],
        acc.at[pl.ds(s * ROWS_PER_TILE_INIT, ROWS_PER_TILE_INIT)],
    )
    plsc.subcore_barrier()

    base0 = c * (E_PAD // 2) + s * (E_PAD // (2 * NS))

    def body(j, carry):
        base = base0 + j * CH
        pltpu.sync_copy(didx_hbm.at[pl.ds(base, CH)], idxd_v)
        pltpu.sync_copy(ones_v, acc.at[idxd_v], add=True)
        return carry

    lax.fori_loop(0, E_PAD // (2 * NS * CH), body, 0)
    plsc.subcore_barrier()
    pltpu.sync_copy(
        acc.at[pl.ds(s * ROWS_PER_TILE_OUT, ROWS_PER_TILE_OUT)],
        out_hbm.at[pl.ds(c * ACC_ROWS + s * ROWS_PER_TILE_OUT, ROWS_PER_TILE_OUT)],
    )


def _sc_gather_body(tab_hbm, xidx_hbm, out_hbm, idx_v, rows_v, sem):
    c = lax.axis_index("c")
    s = lax.axis_index("s")
    wid = s * NC + c
    per_tile = GN_PAD // (NC * NS)

    def body(j, carry):
        base = wid * per_tile + j * CH
        pltpu.sync_copy(xidx_hbm.at[pl.ds(base, CH)], idx_v)
        pltpu.async_copy(tab_hbm.at[idx_v], rows_v, sem).wait()
        pltpu.sync_copy(rows_v, out_hbm.at[pl.ds(base, CH)])
        return carry

    lax.fori_loop(0, per_tile // CH, body, 0)


KB = 4
CHUNKS_PER_TILE = E_PAD // (NS * CH)
BATCHES_PER_TILE = CHUNKS_PER_TILE // KB


def _sc_agg_body(u2_hbm, sidx_hbm, didx_hbm, zeros_hbm, out_hbm,
                 sidx_v, didx_v, rows_v, acc, semg, sems):
    c = lax.axis_index("c")
    s = lax.axis_index("s")

    pltpu.sync_copy(
        zeros_hbm.at[pl.ds(s * ROWS_PER_TILE_INIT, ROWS_PER_TILE_INIT)],
        acc.at[pl.ds(s * ROWS_PER_TILE_INIT, ROWS_PER_TILE_INIT)],
    )
    plsc.subcore_barrier()

    srow0 = (c * E_PAD) // CH + s * CHUNKS_PER_TILE
    drow0 = s * CHUNKS_PER_TILE

    def body(i, carry):
        pltpu.sync_copy(sidx_hbm.at[pl.ds(srow0 + i * KB, KB)], sidx_v)
        pltpu.sync_copy(didx_hbm.at[pl.ds(drow0 + i * KB, KB)], didx_v)
        gathers = [
            pltpu.async_copy(u2_hbm.at[sidx_v.at[j]],
                             rows_v.at[pl.ds(j * CH, CH)], semg)
            for j in range(KB)
        ]
        for j in range(KB):
            gathers[j].wait()
            pltpu.sync_copy(rows_v.at[pl.ds(j * CH, CH)],
                            acc.at[didx_v.at[j]], add=True)
        return carry

    lax.fori_loop(0, BATCHES_PER_TILE, body, 0)
    plsc.subcore_barrier()
    pltpu.sync_copy(
        acc.at[pl.ds(s * ROWS_PER_TILE_OUT, ROWS_PER_TILE_OUT)],
        out_hbm.at[pl.ds(c * ACC_ROWS + s * ROWS_PER_TILE_OUT, ROWS_PER_TILE_OUT)],
    )


@functools.cache
def _sc_kernels():
    mesh = plsc.VectorSubcoreMesh(core_axis_name="c", subcore_axis_name="s")
    params = pltpu.CompilerParams(use_tc_tiling_on_sc=False)
    deg = pl.kernel(
        _sc_deg_body,
        out_type=jax.ShapeDtypeStruct((NC * ACC_ROWS, 16), f32),
        mesh=mesh,
        compiler_params=params,
        scratch_types=[
            pltpu.VMEM((CH, 16), f32),
            pltpu.VMEM((CH,), i32),
            pltpu.VMEM_SHARED((ACC_ROWS, 16), f32),
        ],
    )
    gather = pl.kernel(
        _sc_gather_body,
        out_type=jax.ShapeDtypeStruct((GN_PAD, H), f32),
        mesh=mesh,
        compiler_params=params,
        scratch_types=[
            pltpu.VMEM((CH,), i32),
            pltpu.VMEM((CH, H), f32),
            pltpu.SemaphoreType.DMA,
        ],
    )
    agg = pl.kernel(
        _sc_agg_body,
        out_type=jax.ShapeDtypeStruct((NC * ACC_ROWS, H // 2), f32),
        mesh=mesh,
        compiler_params=params,
        scratch_types=[
            pltpu.VMEM((KB, CH), i32),
            pltpu.VMEM((KB, CH), i32),
            pltpu.VMEM((KB * CH, H // 2), f32),
            pltpu.VMEM_SHARED((ACC_ROWS, H // 2), f32),
            pltpu.SemaphoreType.DMA,
            pltpu.SemaphoreType.DMA,
        ],
    )
    return deg, gather, agg



_NB = 50
_BLK = N // _NB


def _mm_body(a_ref, w_ref, o_ref):
    o_ref[...] = jnp.dot(a_ref[...], w_ref[...], preferred_element_type=f32)


def _tc_table_mm(emb, W1):
    nb = V // _BLK
    return pl.pallas_call(
        _mm_body,
        grid=(nb,),
        in_specs=[
            pl.BlockSpec((_BLK, D), lambda i: (i, 0)),
            pl.BlockSpec((D, H), lambda i: (0, 0)),
        ],
        out_specs=pl.BlockSpec((_BLK, H), lambda i: (i, 0)),
        out_shape=jax.ShapeDtypeStruct((V, H), f32),
    )(emb, W1)


def _scale_body(d0_ref, d1_ref, h0_ref, dinv_ref, u_ref):
    dv = lax.rsqrt(d0_ref[...] + d1_ref[...] + 1.0)
    dinv_ref[...] = dv
    u_ref[...] = h0_ref[...] * dv


def _tc_scale(d0, d1, h0):
    return pl.pallas_call(
        _scale_body,
        grid=(_NB,),
        in_specs=[
            pl.BlockSpec((_BLK, 1), lambda i: (i, 0)),
            pl.BlockSpec((_BLK, 1), lambda i: (i, 0)),
            pl.BlockSpec((_BLK, H), lambda i: (i, 0)),
        ],
        out_specs=[
            pl.BlockSpec((_BLK, 1), lambda i: (i, 0)),
            pl.BlockSpec((_BLK, H), lambda i: (i, 0)),
        ],
        out_shape=[
            jax.ShapeDtypeStruct((N, 1), f32),
            jax.ShapeDtypeStruct((N, H), f32),
        ],
    )(d0, d1, h0)


def _layer2_body(agg_ref, u_ref, dinv_ref, b1_ref, w2_ref, u2_ref):
    h1 = jax.nn.relu(dinv_ref[...] * (agg_ref[...] + u_ref[...]) + b1_ref[...])
    u2_ref[...] = jnp.dot(h1, w2_ref[...], preferred_element_type=f32) * dinv_ref[...]


def _tc_layer2(agg1, U1, dinv, b1, W2):
    return pl.pallas_call(
        _layer2_body,
        grid=(_NB,),
        in_specs=[
            pl.BlockSpec((_BLK, H), lambda i: (i, 0)),
            pl.BlockSpec((_BLK, H), lambda i: (i, 0)),
            pl.BlockSpec((_BLK, 1), lambda i: (i, 0)),
            pl.BlockSpec((1, H), lambda i: (0, 0)),
            pl.BlockSpec((H, H), lambda i: (0, 0)),
        ],
        out_specs=pl.BlockSpec((_BLK, H), lambda i: (i, 0)),
        out_shape=jax.ShapeDtypeStruct((N, H), f32),
    )(agg1, U1, dinv, b1, W2)


def _gate_body(agg_ref, u_ref, dinv_ref, b2_ref, wg_ref, bg_ref, batch_ref,
               h2_ref, g_ref, gmax_ref):
    i = pl.program_id(0)
    h2 = jax.nn.relu(dinv_ref[...] * (agg_ref[...] + u_ref[...]) + b2_ref[...])
    g = jnp.dot(h2, wg_ref[...], preferred_element_type=f32) + bg_ref[...]
    oh = lax.broadcasted_iota(i32, (_BLK, B), 1) == batch_ref[...]
    gm = jnp.where(oh, g, -jnp.inf)
    bmax = jnp.max(gm, axis=0, keepdims=True)

    @pl.when(i == 0)
    def _():
        gmax_ref[...] = jnp.full((1, B), -jnp.inf, f32)

    gmax_ref[...] = jnp.maximum(gmax_ref[...], bmax)
    h2_ref[...] = h2
    g_ref[...] = g


def _tc_gate(agg2, U2, dinv, b2, Wg, bg, batch2d):
    return pl.pallas_call(
        _gate_body,
        grid=(_NB,),
        in_specs=[
            pl.BlockSpec((_BLK, H), lambda i: (i, 0)),
            pl.BlockSpec((_BLK, H), lambda i: (i, 0)),
            pl.BlockSpec((_BLK, 1), lambda i: (i, 0)),
            pl.BlockSpec((1, H), lambda i: (0, 0)),
            pl.BlockSpec((H, 1), lambda i: (0, 0)),
            pl.BlockSpec((1, 1), lambda i: (0, 0)),
            pl.BlockSpec((_BLK, 1), lambda i: (i, 0)),
        ],
        out_specs=[
            pl.BlockSpec((_BLK, H), lambda i: (i, 0)),
            pl.BlockSpec((_BLK, 1), lambda i: (i, 0)),
            pl.BlockSpec((1, B), lambda i: (0, 0)),
        ],
        out_shape=[
            jax.ShapeDtypeStruct((N, H), f32),
            jax.ShapeDtypeStruct((N, 1), f32),
            jax.ShapeDtypeStruct((1, B), f32),
        ],
    )(agg2, U2, dinv, b2, Wg, bg, batch2d)


def _pool_body(h2_ref, g_ref, batch_ref, gmax_ref, wc_ref, bc_ref, res_ref,
               num_s, den_s):
    i = pl.program_id(0)

    @pl.when(i == 0)
    def _():
        num_s[...] = jnp.zeros((B, H), f32)
        den_s[...] = jnp.zeros((B, 1), f32)

    oh = (lax.broadcasted_iota(i32, (_BLK, B), 1) == batch_ref[...]).astype(f32)
    gmax = gmax_ref[...]
    gm0 = jnp.where(jnp.isfinite(gmax), gmax, 0.0)
    gnode = lax.dot_general(oh, gm0, (((1,), (1,)), ((), ())),
                            preferred_element_type=f32)
    e = jnp.exp(g_ref[...] - gnode)
    den_s[...] += lax.dot_general(oh, e, (((0,), (0,)), ((), ())),
                                  preferred_element_type=f32)
    num_s[...] += lax.dot_general(oh, e * h2_ref[...], (((0,), (0,)), ((), ())),
                                  preferred_element_type=f32)

    @pl.when(i == _NB - 1)
    def _():
        nv = jnp.dot(num_s[...], wc_ref[...], preferred_element_type=f32)
        res_ref[...] = nv / jnp.maximum(den_s[...], 1e-16) + bc_ref[...]


def _tc_pool(h2, g, batch2d, gmax, Wc, bc):
    return pl.pallas_call(
        _pool_body,
        grid=(_NB,),
        in_specs=[
            pl.BlockSpec((_BLK, H), lambda i: (i, 0)),
            pl.BlockSpec((_BLK, 1), lambda i: (i, 0)),
            pl.BlockSpec((_BLK, 1), lambda i: (i, 0)),
            pl.BlockSpec((1, B), lambda i: (0, 0)),
            pl.BlockSpec((H, 1), lambda i: (0, 0)),
            pl.BlockSpec((1, 1), lambda i: (0, 0)),
        ],
        out_specs=pl.BlockSpec((B, 1), lambda i: (0, 0)),
        out_shape=jax.ShapeDtypeStruct((B, 1), f32),
        scratch_shapes=[
            pltpu.VMEM((B, H), f32),
            pltpu.VMEM((B, 1), f32),
        ],
    )(h2, g, batch2d, gmax, Wc, bc)



def _interleave_pad(U):
    u2 = U.reshape(2 * N, H // 2)
    return jnp.concatenate([u2, jnp.zeros((16, H // 2), f32)], axis=0)


def kernel(x, edge_index, batch, emb, W1, b1, W2, b2, Wg, bg, Wc, bc):
    _sc_deg, _sc_gather, _sc_agg = _sc_kernels()
    src = edge_index[0].astype(i32)
    dst = edge_index[1].astype(i32)

    pad_e = E_PAD - E
    src_p = jnp.concatenate([src, jnp.full((pad_e,), N, i32)])
    dst_p = jnp.concatenate([dst, jnp.full((pad_e,), N, i32)])
    sidx = jnp.concatenate([2 * src_p, 2 * src_p + 1])
    x_p = jnp.concatenate([x.astype(i32), jnp.zeros((GN_PAD - N,), i32)])
    zeros16 = jnp.zeros((ACC_ROWS, 16), f32)
    zeros32 = jnp.zeros((ACC_ROWS, H // 2), f32)

    T1 = _tc_table_mm(emb, W1)
    h0 = _sc_gather(T1, x_p)[:N]

    dpart = _sc_deg(dst_p, zeros16)
    dinv, U1 = _tc_scale(dpart[:N, :1], dpart[ACC_ROWS:ACC_ROWS + N, :1], h0)

    sidx2 = sidx.reshape(2 * E_PAD // CH, CH)
    didx2 = dst_p.reshape(E_PAD // CH, CH)
    a1 = _sc_agg(_interleave_pad(U1), sidx2, didx2, zeros32)
    agg1 = jnp.concatenate([a1[:N], a1[ACC_ROWS:ACC_ROWS + N]], axis=1)
    U2 = _tc_layer2(agg1, U1, dinv, b1.reshape(1, H), W2)
    a2 = _sc_agg(_interleave_pad(U2), sidx2, didx2, zeros32)
    agg2 = jnp.concatenate([a2[:N], a2[ACC_ROWS:ACC_ROWS + N]], axis=1)

    batch2d = batch.astype(i32).reshape(N, 1)
    h2, g, gmax = _tc_gate(agg2, U2, dinv, b2.reshape(1, H), Wg,
                           bg.reshape(1, 1), batch2d)
    return _tc_pool(h2, g, batch2d, gmax, Wc, bc.reshape(1, 1))

# --- scband reference (transcript-rebuilt; emitter-appended) ---
"""Pipeline reference for scband-gcn-74483322847349 (READ-ONLY COPY).

The authoritative reference and input builder live on the scoring server;
editing this copy changes nothing except your own understanding.
"""

import jax, jax.numpy as jnp
import numpy as np

N = 50000
E = 800000
V = 100000
D = 128
H = 64
B = 64

def setup_inputs(seed: int = 0) -> dict:
    key = jax.random.key(seed)
    ks = jax.random.split(key, 12)
    x = jax.random.randint(ks[0], (N,), 0, V)
    edge_index = jax.random.randint(ks[1], (2, E), 0, N)
    batch = jnp.sort(jax.random.randint(ks[2], (N,), 0, B))
    emb = jax.random.normal(ks[3], (V, D), dtype=jnp.float32) * 0.05
    W1 = jax.random.normal(ks[4], (D, H), dtype=jnp.float32) / np.sqrt(D)
    b1 = jnp.zeros((H,), dtype=jnp.float32)
    W2 = jax.random.normal(ks[5], (H, H), dtype=jnp.float32) / np.sqrt(H)
    b2 = jnp.zeros((H,), dtype=jnp.float32)
    Wg = jax.random.normal(ks[6], (H, 1), dtype=jnp.float32) / np.sqrt(H)
    bg = jnp.zeros((1,), dtype=jnp.float32)
    Wc = jax.random.normal(ks[7], (H, 1), dtype=jnp.float32) / np.sqrt(H)
    bc = jnp.zeros((1,), dtype=jnp.float32)
    return {"x": x, "edge_index": edge_index, "batch": batch, "emb": emb,
            "W1": W1, "b1": b1, "W2": W2, "b2": b2, "Wg": Wg, "bg": bg, "Wc": Wc, "bc": bc}

def gcn_conv(h, edge_index, W, b, num_nodes):
    # GCNConv: linear transform, then symmetric-normalized aggregation with self-loops
    h = h @ W
    loops = jnp.arange(num_nodes)
    src = jnp.concatenate([edge_index[0], loops])
    dst = jnp.concatenate([edge_index[1], loops])
    deg = jnp.zeros((num_nodes,), dtype=h.dtype).at[dst].add(1.0)
    dinv = jax.lax.rsqrt(jnp.maximum(deg, 1.0))
    norm = dinv[src] * dinv[dst]
    msg = h[src] * norm[:, None]
    out = jnp.zeros((num_nodes, h.shape[1]), dtype=h.dtype).at[dst].add(msg)
    return out + b

def reference(x, edge_index, batch, emb, W1, b1, W2, b2, Wg, bg, Wc, bc):
    h = emb[x]                                   # embedding lookup [N, D]
    h = jax.nn.relu(gcn_conv(h, edge_index, W1, b1, N))
    # dropout is identity in eval mode
    h = jax.nn.relu(gcn_conv(h, edge_index, W2, b2, N))
    # AttentionalAggregation: per-graph softmax gate then weighted sum
    g = (h @ Wg + bg)[:, 0]                      # [N]
    gmax = jax.ops.segment_max(g, batch, num_segments=B)
    gmax = jnp.where(jnp.isfinite(gmax), gmax, 0.0)
    e = jnp.exp(g - gmax[batch])
    denom = jax.ops.segment_sum(e, batch, num_segments=B)
    att = e / jnp.maximum(denom[batch], 1e-16)
    pooled = jax.ops.segment_sum(att[:, None] * h, batch, num_segments=B)  # [B, H]
    return pooled @ Wc + bc                      # [B, 1]

if __name__ == "__main__":
    import jax
    _d = setup_inputs()
    print(jax.jit(kernel)(*tuple(_d.values())))

</pallas_src>

<mosaic_0001>
#map = affine_map<(d0, d1) -> (0, 0)>
#map1 = affine_map<(d0, d1) -> (0)>
module attributes {stable_mosaic.version = 14 : i64} {
  func.func @_sc_gather_body(%arg0: i32, %arg1: i32, %arg2: memref<100000x64xf32, #tpu.memory_space<hbm>>, %arg3: memref<53248xi32, #tpu.memory_space<hbm>>, %arg4: memref<53248x64xf32, #tpu.memory_space<hbm>>, %arg5: memref<128xi32, #tpu.memory_space<vmem>>, %arg6: memref<128x64xf32, #tpu.memory_space<vmem>>, %arg7: memref<!tpu.dma_semaphore, #tpu.memory_space<semaphore_mem>>) attributes {dimension_semantics = [#tpu.dimension_semantics<core_parallel>, #tpu.dimension_semantics<subcore_parallel>], iteration_bounds = array<i64: 2, 16>, scalar_prefetch = 0 : i64, scratch_operands = 3 : i64, tpu.core_type = #tpu.core_type<sc_vector_subcore>, window_params = [{transform_indices = #map}, {transform_indices = #map1}, {transform_indices = #map}]} {
    %mul3A = arith.constant 2 : i32
    %mul3A_0 = arith.muli %arg1, %mul3A : i32
    %add3A = arith.addi %mul3A_0, %arg0 : i32
    %scan3A = arith.constant 0 : i32
    %scan3A_1 = arith.constant 0 : i32
    %scan3A_2 = arith.constant 13 : i32
    %scan3A_3 = arith.addi %scan3A_1, %scan3A_2 : i32
    %scan3A_4 = arith.constant 1 : i32
    scf.for %scan3A_6 = %scan3A_1 to %scan3A_3 step %scan3A_4  : i32 {
      %mul3A_7 = arith.constant 1664 : i32
      %mul3A_8 = arith.muli %add3A, %mul3A_7 : i32
      %mul3A_9 = arith.constant 128 : i32
      %mul3A_10 = arith.muli %scan3A_6, %mul3A_9 : i32
      %add3A_11 = arith.addi %mul3A_8, %mul3A_10 : i32
      "tpu.region"() ({
        %run_scoped3A = tpu.sem_alloc : memref<!tpu.dma_semaphore, #tpu.memory_space<semaphore_mem>>
        %dma_start3A_16 = tpu.memref_slice %arg3[%add3A_11] : memref<53248xi32, #tpu.memory_space<hbm>> -> memref<128xi32, #tpu.memory_space<hbm>>
        %dma_start3A_17 = tpu.memref_slice %arg3[%add3A_11] : memref<53248xi32, #tpu.memory_space<hbm>> -> memref<128xi32, #tpu.memory_space<hbm>>
        tpu.enqueue_dma source(%dma_start3A_17 : memref<128xi32, #tpu.memory_space<hbm>>) target(%arg5 : memref<128xi32, #tpu.memory_space<vmem>>) target_semaphore(%run_scoped3A : memref<!tpu.dma_semaphore, #tpu.memory_space<semaphore_mem>>)
        %dma_wait3A_18 = tpu.memref_slice %arg3[%add3A_11] : memref<53248xi32, #tpu.memory_space<hbm>> -> memref<128xi32, #tpu.memory_space<hbm>>
        %dma_wait3A_19 = tpu.memref_slice %arg3[%add3A_11] : memref<53248xi32, #tpu.memory_space<hbm>> -> memref<128xi32, #tpu.memory_space<hbm>>
        tpu.wait_dma2 semaphore(%run_scoped3A : memref<!tpu.dma_semaphore, #tpu.memory_space<semaphore_mem>>) src(%dma_wait3A_19 : memref<128xi32, #tpu.memory_space<hbm>>) dst(%arg5 : memref<128xi32, #tpu.memory_space<vmem>>)
        tpu.yield
      }) : () -> ()
      %dma_start3A = arith.constant 0 : i32
      %dma_start3A_12 = arith.constant 0 : i32
      %dma_start3A_13 = tpu.memref_slice %arg2[%dma_start3A, %dma_start3A_12] : memref<100000x64xf32, #tpu.memory_space<hbm>> -> memref<100000x64xf32, #tpu.memory_space<hbm>>
      tpu.enqueue_indirect_dma source(%dma_start3A_13 : memref<100000x64xf32, #tpu.memory_space<hbm>>) target(%arg6 : memref<128x64xf32, #tpu.memory_space<vmem>>) offsets(%arg5 : memref<128xi32, #tpu.memory_space<vmem>>) semaphore(%arg7 : memref<!tpu.dma_semaphore, #tpu.memory_space<semaphore_mem>>)
      %dma_wait3A = arith.constant 0 : i32
      %dma_wait3A_14 = arith.constant 0 : i32
      %dma_wait3A_15 = tpu.memref_slice %arg2[%dma_wait3A, %dma_wait3A_14] : memref<100000x64xf32, #tpu.memory_space<hbm>> -> memref<100000x64xf32, #tpu.memory_space<hbm>>
      tpu.wait_indirect_dma semaphore(%arg7 : memref<!tpu.dma_semaphore, #tpu.memory_space<semaphore_mem>>) src(%dma_wait3A_15 : memref<100000x64xf32, #tpu.memory_space<hbm>>) dst(%arg6 : memref<128x64xf32, #tpu.memory_space<vmem>>)
      "tpu.region"() ({
        %run_scoped3A = tpu.sem_alloc : memref<!tpu.dma_semaphore, #tpu.memory_space<semaphore_mem>>
        %dma_start3A_16 = arith.constant 0 : i32
        %dma_start3A_17 = tpu.memref_slice %arg4[%add3A_11, %dma_start3A_16] : memref<53248x64xf32, #tpu.memory_space<hbm>> -> memref<128x64xf32, #tpu.memory_space<hbm>>
        %dma_start3A_18 = arith.constant 0 : i32
        %dma_start3A_19 = tpu.memref_slice %arg4[%add3A_11, %dma_start3A_18] : memref<53248x64xf32, #tpu.memory_space<hbm>> -> memref<128x64xf32, #tpu.memory_space<hbm>>
        tpu.enqueue_dma source(%arg6 : memref<128x64xf32, #tpu.memory_space<vmem>>) target(%dma_start3A_19 : memref<128x64xf32, #tpu.memory_space<hbm>>) target_semaphore(%run_scoped3A : memref<!tpu.dma_semaphore, #tpu.memory_space<semaphore_mem>>)
        %dma_wait3A_20 = arith.constant 0 : i32
        %dma_wait3A_21 = tpu.memref_slice %arg4[%add3A_11, %dma_wait3A_20] : memref<53248x64xf32, #tpu.memory_space<hbm>> -> memref<128x64xf32, #tpu.memory_space<hbm>>
        %dma_wait3A_22 = arith.constant 0 : i32
        %dma_wait3A_23 = tpu.memref_slice %arg4[%add3A_11, %dma_wait3A_22] : memref<53248x64xf32, #tpu.memory_space<hbm>> -> memref<128x64xf32, #tpu.memory_space<hbm>>
        tpu.wait_dma2 semaphore(%run_scoped3A : memref<!tpu.dma_semaphore, #tpu.memory_space<semaphore_mem>>) src(%arg6 : memref<128x64xf32, #tpu.memory_space<vmem>>) dst(%dma_wait3A_23 : memref<128x64xf32, #tpu.memory_space<hbm>>)
        tpu.yield
      }) : () -> ()
    }
    %scan3A_5 = arith.constant 13 : i32
    return
  }
}

#map = affine_map<(d0, d1) -> (0, 0)>
module attributes {stable_mosaic.version = 14 : i64} {
  func.func @_sc_agg_body(%arg0: i32, %arg1: i32, %arg2: memref<100016x32xf32, #tpu.memory_space<hbm>>, %arg3: memref<12544x128xi32, #tpu.memory_space<hbm>>, %arg4: memref<6272x128xi32, #tpu.memory_space<hbm>>, %arg5: memref<50048x32xf32, #tpu.memory_space<hbm>>, %arg6: memref<100096x32xf32, #tpu.memory_space<hbm>>, %arg7: memref<4x128xi32, #tpu.memory_space<vmem>>, %arg8: memref<4x128xi32, #tpu.memory_space<vmem>>, %arg9: memref<512x32xf32, #tpu.memory_space<vmem>>, %arg10: memref<50048x32xf32, #tpu.memory_space<vmem_shared>>, %arg11: memref<!tpu.dma_semaphore, #tpu.memory_space<semaphore_mem>>, %arg12: memref<!tpu.dma_semaphore, #tpu.memory_space<semaphore_mem>>) attributes {dimension_semantics = [#tpu.dimension_semantics<core_parallel>, #tpu.dimension_semantics<subcore_parallel>], iteration_bounds = array<i64: 2, 16>, scalar_prefetch = 0 : i64, scratch_operands = 6 : i64, tpu.core_type = #tpu.core_type<sc_vector_subcore>, window_params = [{transform_indices = #map}, {transform_indices = #map}, {transform_indices = #map}, {transform_indices = #map}, {transform_indices = #map}]} {
    %mul3A = arith.constant 3128 : i32
    %mul3A_0 = arith.muli %arg1, %mul3A : i32
    %mul3A_1 = arith.constant 3128 : i32
    %mul3A_2 = arith.muli %arg1, %mul3A_1 : i32
    "tpu.region"() ({
      %run_scoped3A = tpu.sem_alloc : memref<!tpu.dma_semaphore, #tpu.memory_space<semaphore_mem>>
      %dma_start3A = arith.constant 0 : i32
      %dma_start3A_38 = tpu.memref_slice %arg10[%mul3A_2, %dma_start3A] : memref<50048x32xf32, #tpu.memory_space<vmem_shared>> -> memref<3128x32xf32, #tpu.memory_space<vmem_shared>>
      %dma_start3A_39 = arith.constant 0 : i32
      %dma_start3A_40 = tpu.memref_slice %arg5[%mul3A_0, %dma_start3A_39] : memref<50048x32xf32, #tpu.memory_space<hbm>> -> memref<3128x32xf32, #tpu.memory_space<hbm>>
      tpu.enqueue_dma source(%dma_start3A_40 : memref<3128x32xf32, #tpu.memory_space<hbm>>) target(%dma_start3A_38 : memref<3128x32xf32, #tpu.memory_space<vmem_shared>>) target_semaphore(%run_scoped3A : memref<!tpu.dma_semaphore, #tpu.memory_space<semaphore_mem>>)
      %dma_wait3A = arith.constant 0 : i32
      %dma_wait3A_41 = tpu.memref_slice %arg10[%mul3A_2, %dma_wait3A] : memref<50048x32xf32, #tpu.memory_space<vmem_shared>> -> memref<3128x32xf32, #tpu.memory_space<vmem_shared>>
      %dma_wait3A_42 = arith.constant 0 : i32
      %dma_wait3A_43 = tpu.memref_slice %arg5[%mul3A_0, %dma_wait3A_42] : memref<50048x32xf32, #tpu.memory_space<hbm>> -> memref<3128x32xf32, #tpu.memory_space<hbm>>
      tpu.wait_dma2 semaphore(%run_scoped3A : memref<!tpu.dma_semaphore, #tpu.memory_space<semaphore_mem>>) src(%dma_wait3A_43 : memref<3128x32xf32, #tpu.memory_space<hbm>>) dst(%dma_wait3A_41 : memref<3128x32xf32, #tpu.memory_space<vmem_shared>>)
      tpu.yield
    }) : () -> ()
    %barrier3A = arith.constant 0 : index
    tpu.barrier barrier_id(%barrier3A)
    %mul3A_3 = arith.constant 802816 : i32
    %mul3A_4 = arith.muli %arg0, %mul3A_3 : i32
    %jit3A = arith.constant 128 : i32
    %div3A = arith.divsi %mul3A_4, %jit3A : i32
    %sign3A = arith.constant 0 : i32
    %sign3A_5 = arith.cmpi sgt, %mul3A_4, %sign3A : i32
    %sign3A_6 = arith.extui %sign3A_5 : i1 to i32
    %sign3A_7 = arith.constant 0 : i32
    %sign3A_8 = arith.cmpi slt, %mul3A_4, %sign3A_7 : i32
    %sign3A_9 = arith.extui %sign3A_8 : i1 to i32
    %sign3A_10 = arith.subi %sign3A_6, %sign3A_9 : i32
    %sign3A_11 = arith.constant 0 : i32
    %sign3A_12 = arith.cmpi sgt, %jit3A, %sign3A_11 : i32
    %sign3A_13 = arith.extui %sign3A_12 : i1 to i32
    %sign3A_14 = arith.constant 0 : i32
    %sign3A_15 = arith.cmpi slt, %jit3A, %sign3A_14 : i32
    %sign3A_16 = arith.extui %sign3A_15 : i1 to i32
    %sign3A_17 = arith.subi %sign3A_13, %sign3A_16 : i32
    %ne3A = arith.cmpi ne, %sign3A_10, %sign3A_17 : i32
    %rem3A = arith.remsi %mul3A_4, %jit3A : i32
    %ne3A_18 = arith.constant 0 : i32
    %ne3A_19 = arith.cmpi ne, %rem3A, %ne3A_18 : i32
    %and3A = arith.andi %ne3A, %ne3A_19 : i1
    %sub3A = arith.constant 1 : i32
    %sub3A_20 = arith.subi %div3A, %sub3A : i32
    %select_n3A = arith.select %and3A, %sub3A_20, %div3A : i32
    %mul3A_21 = arith.constant 392 : i32
    %mul3A_22 = arith.muli %arg1, %mul3A_21 : i32
    %add3A = arith.addi %select_n3A, %mul3A_22 : i32
    %mul3A_23 = arith.constant 392 : i32
    %mul3A_24 = arith.muli %arg1, %mul3A_23 : i32
    %scan3A = arith.constant 0 : i32
    %scan3A_25 = arith.constant 0 : i32
    %scan3A_26 = arith.constant 98 : i32
    %scan3A_27 = arith.addi %scan3A_25, %scan3A_26 : i32
    %scan3A_28 = arith.constant 1 : i32
    scf.for %scan3A_38 = %scan3A_25 to %scan3A_27 step %scan3A_28  : i32 {
      %mul3A_39 = arith.constant 4 : i32
      %mul3A_40 = arith.muli %scan3A_38, %mul3A_39 : i32
      %add3A_41 = arith.addi %add3A, %mul3A_40 : i32
      "tpu.region"() ({
        %run_scoped3A_126 = tpu.sem_alloc : memref<!tpu.dma_semaphore, #tpu.memory_space<semaphore_mem>>
        %dma_start3A_127 = arith.constant 0 : i32
        %dma_start3A_128 = tpu.memref_slice %arg3[%add3A_41, %dma_start3A_127] : memref<12544x128xi32, #tpu.memory_space<hbm>> -> memref<4x128xi32, #tpu.memory_space<hbm>>
        %dma_start3A_129 = arith.constant 0 : i32
        %dma_start3A_130 = tpu.memref_slice %arg3[%add3A_41, %dma_start3A_129] : memref<12544x128xi32, #tpu.memory_space<hbm>> -> memref<4x128xi32, #tpu.memory_space<hbm>>
        tpu.enqueue_dma source(%dma_start3A_130 : memref<4x128xi32, #tpu.memory_space<hbm>>) target(%arg7 : memref<4x128xi32, #tpu.memory_space<vmem>>) target_semaphore(%run_scoped3A_126 : memref<!tpu.dma_semaphore, #tpu.memory_space<semaphore_mem>>)
        %dma_wait3A_131 = arith.constant 0 : i32
        %dma_wait3A_132 = tpu.memref_slice %arg3[%add3A_41, %dma_wait3A_131] : memref<12544x128xi32, #tpu.memory_space<hbm>> -> memref<4x128xi32, #tpu.memory_space<hbm>>
        %dma_wait3A_133 = arith.constant 0 : i32
        %dma_wait3A_134 = tpu.memref_slice %arg3[%add3A_41, %dma_wait3A_133] : memref<12544x128xi32, #tpu.memory_space<hbm>> -> memref<4x128xi32, #tpu.memory_space<hbm>>
        tpu.wait_dma2 semaphore(%run_scoped3A_126 : memref<!tpu.dma_semaphore, #tpu.memory_space<semaphore_mem>>) src(%dma_wait3A_134 : memref<4x128xi32, #tpu.memory_space<hbm>>) dst(%arg7 : memref<4x128xi32, #tpu.memory_space<vmem>>)
        tpu.yield
      }) : () -> ()
      %mul3A_42 = arith.constant 4 : i32
      %mul3A_43 = arith.muli %scan3A_38, %mul3A_42 : i32
      %add3A_44 = arith.addi %mul3A_24, %mul3A_43 : i32
      "tpu.region"() ({
        %run_scoped3A_126 = tpu.sem_alloc : memref<!tpu.dma_semaphore, #tpu.memory_space<semaphore_mem>>
        %dma_start3A_127 = arith.constant 0 : i32
        %dma_start3A_128 = tpu.memref_slice %arg4[%add3A_44, %dma_start3A_127] : memref<6272x128xi32, #tpu.memory_space<hbm>> -> memref<4x128xi32, #tpu.memory_space<hbm>>
        %dma_start3A_129 = arith.constant 0 : i32
        %dma_start3A_130 = tpu.memref_slice %arg4[%add3A_44, %dma_start3A_129] : memref<6272x128xi32, #tpu.memory_space<hbm>> -> memref<4x128xi32, #tpu.memory_space<hbm>>
        tpu.enqueue_dma source(%dma_start3A_130 : memref<4x128xi32, #tpu.memory_space<hbm>>) target(%arg8 : memref<4x128xi32, #tpu.memory_space<vmem>>) target_semaphore(%run_scoped3A_126 : memref<!tpu.dma_semaphore, #tpu.memory_space<semaphore_mem>>)
        %dma_wait3A_131 = arith.constant 0 : i32
        %dma_wait3A_132 = tpu.memref_slice %arg4[%add3A_44, %dma_wait3A_131] : memref<6272x128xi32, #tpu.memory_space<hbm>> -> memref<4x128xi32, #tpu.memory_space<hbm>>
        %dma_wait3A_133 = arith.constant 0 : i32
        %dma_wait3A_134 = tpu.memref_slice %arg4[%add3A_44, %dma_wait3A_133] : memref<6272x128xi32, #tpu.memory_space<hbm>> -> memref<4x128xi32, #tpu.memory_space<hbm>>
        tpu.wait_dma2 semaphore(%run_scoped3A_126 : memref<!tpu.dma_semaphore, #tpu.memory_space<semaphore_mem>>) src(%dma_wait3A_134 : memref<4x128xi32, #tpu.memory_space<hbm>>) dst(%arg8 : memref<4x128xi32, #tpu.memory_space<vmem>>)
        tpu.yield
      }) : () -> ()
      %dma_start3A = arith.constant 0 : i32
      %dma_start3A_45 = arith.constant 0 : i32
      %dma_start3A_46 = arith.constant 0 : i32
      %dma_start3A_47 = tpu.memref_slice %arg9[%dma_start3A_45, %dma_start3A_46] : memref<512x32xf32, #tpu.memory_space<vmem>> -> memref<128x32xf32, #tpu.memory_space<vmem>>
      %dma_start3A_48 = arith.constant 0 : i32
      %dma_start3A_49 = tpu.memref_slice %arg7[%dma_start3A, %dma_start3A_48] : memref<4x128xi32, #tpu.memory_space<vmem>> -> memref<1x128xi32, #tpu.memory_space<vmem>>
      %dma_start3A_50 = tpu.memref_squeeze %dma_start3A_49 : memref<1x128xi32, #tpu.memory_space<vmem>> -> memref<128xi32, #tpu.memory_space<vmem>>
      %dma_start3A_51 = arith.constant 0 : i32
      %dma_start3A_52 = arith.constant 0 : i32
      %dma_start3A_53 = tpu.memref_slice %arg2[%dma_start3A_51, %dma_start3A_52] : memref<100016x32xf32, #tpu.memory_space<hbm>> -> memref<100016x32xf32, #tpu.memory_space<hbm>>
      tpu.enqueue_indirect_dma source(%dma_start3A_53 : memref<100016x32xf32, #tpu.memory_space<hbm>>) target(%dma_start3A_47 : memref<128x32xf32, #tpu.memory_space<vmem>>) offsets(%dma_start3A_50 : memref<128xi32, #tpu.memory_space<vmem>>) semaphore(%arg11 : memref<!tpu.dma_semaphore, #tpu.memory_space<semaphore_mem>>)
      %dma_start3A_54 = arith.constant 1 : i32
      %dma_start3A_55 = arith.constant 128 : i32
      %dma_start3A_56 = arith.constant 0 : i32
      %dma_start3A_57 = tpu.memref_slice %arg9[%dma_start3A_55, %dma_start3A_56] : memref<512x32xf32, #tpu.memory_space<vmem>> -> memref<128x32xf32, #tpu.memory_space<vmem>>
      %dma_start3A_58 = arith.constant 0 : i32
      %dma_start3A_59 = tpu.memref_slice %arg7[%dma_start3A_54, %dma_start3A_58] : memref<4x128xi32, #tpu.memory_space<vmem>> -> memref<1x128xi32, #tpu.memory_space<vmem>>
      %dma_start3A_60 = tpu.memref_squeeze %dma_start3A_59 : memref<1x128xi32, #tpu.memory_space<vmem>> -> memref<128xi32, #tpu.memory_space<vmem>>
      %dma_start3A_61 = arith.constant 0 : i32
      %dma_start3A_62 = arith.constant 0 : i32
      %dma_start3A_63 = tpu.memref_slice %arg2[%dma_start3A_61, %dma_start3A_62] : memref<100016x32xf32, #tpu.memory_space<hbm>> -> memref<100016x32xf32, #tpu.memory_space<hbm>>
      tpu.enqueue_indirect_dma source(%dma_start3A_63 : memref<100016x32xf32, #tpu.memory_space<hbm>>) target(%dma_start3A_57 : memref<128x32xf32, #tpu.memory_space<vmem>>) offsets(%dma_start3A_60 : memref<128xi32, #tpu.memory_space<vmem>>) semaphore(%arg11 : memref<!tpu.dma_semaphore, #tpu.memory_space<semaphore_mem>>)
      %dma_start3A_64 = arith.constant 2 : i32
      %dma_start3A_65 = arith.constant 256 : i32
      %dma_start3A_66 = arith.constant 0 : i32
      %dma_start3A_67 = tpu.memref_slice %arg9[%dma_start3A_65, %dma_start3A_66] : memref<512x32xf32, #tpu.memory_space<vmem>> -> memref<128x32xf32, #tpu.memory_space<vmem>>
      %dma_start3A_68 = arith.constant 0 : i32
      %dma_start3A_69 = tpu.memref_slice %arg7[%dma_start3A_64, %dma_start3A_68] : memref<4x128xi32, #tpu.memory_space<vmem>> -> memref<1x128xi32, #tpu.memory_space<vmem>>
      %dma_start3A_70 = tpu.memref_squeeze %dma_start3A_69 : memref<1x128xi32, #tpu.memory_space<vmem>> -> memref<128xi32, #tpu.memory_space<vmem>>
      %dma_start3A_71 = arith.constant 0 : i32
      %dma_start3A_72 = arith.constant 0 : i32
      %dma_start3A_73 = tpu.memref_slice %arg2[%dma_start3A_71, %dma_start3A_72] : memref<100016x32xf32, #tpu.memory_space<hbm>> -> memref<100016x32xf32, #tpu.memory_space<hbm>>
      tpu.enqueue_indirect_dma source(%dma_start3A_73 : memref<100016x32xf32, #tpu.memory_space<hbm>>) target(%dma_start3A_67 : memref<128x32xf32, #tpu.memory_space<vmem>>) offsets(%dma_start3A_70 : memref<128xi32, #tpu.memory_space<vmem>>) semaphore(%arg11 : memref<!tpu.dma_semaphore, #tpu.memory_space<semaphore_mem>>)
      %dma_start3A_74 = arith.constant 3 : i32
      %dma_start3A_75 = arith.constant 384 : i32
      %dma_start3A_76 = arith.constant 0 : i32
      %dma_start3A_77 = tpu.memref_slice %arg9[%dma_start3A_75, %dma_start3A_76] : memref<512x32xf32, #tpu.memory_space<vmem>> -> memref<128x32xf32, #tpu.memory_space<vmem>>
      %dma_start3A_78 = arith.constant 0 : i32
      %dma_start3A_79 = tpu.memref_slice %arg7[%dma_start3A_74, %dma_start3A_78] : memref<4x128xi32, #tpu.memory_space<vmem>> -> memref<1x128xi32, #tpu.memory_space<vmem>>
      %dma_start3A_80 = tpu.memref_squeeze %dma_start3A_79 : memref<1x128xi32, #tpu.memory_space<vmem>> -> memref<128xi32, #tpu.memory_space<vmem>>
      %dma_start3A_81 = arith.constant 0 : i32
      %dma_start3A_82 = arith.constant 0 : i32
      %dma_start3A_83 = tpu.memref_slice %arg2[%dma_start3A_81, %dma_start3A_82] : memref<100016x32xf32, #tpu.memory_space<hbm>> -> memref<100016x32xf32, #tpu.memory_space<hbm>>
      tpu.enqueue_indirect_dma source(%dma_start3A_83 : memref<100016x32xf32, #tpu.memory_space<hbm>>) target(%dma_start3A_77 : memref<128x32xf32, #tpu.memory_space<vmem>>) offsets(%dma_start3A_80 : memref<128xi32, #tpu.memory_space<vmem>>) semaphore(%arg11 : memref<!tpu.dma_semaphore, #tpu.memory_space<semaphore_mem>>)
      %dma_wait3A = arith.constant 0 : i32
      %dma_wait3A_84 = arith.constant 0 : i32
      %dma_wait3A_85 = arith.constant 0 : i32
      %dma_wait3A_86 = tpu.memref_slice %arg9[%dma_wait3A_84, %dma_wait3A_85] : memref<512x32xf32, #tpu.memory_space<vmem>> -> memref<128x32xf32, #tpu.memory_space<vmem>>
      %dma_wait3A_87 = arith.constant 0 : i32
      %dma_wait3A_88 = tpu.memref_slice %arg7[%dma_wait3A, %dma_wait3A_87] : memref<4x128xi32, #tpu.memory_space<vmem>> -> memref<1x128xi32, #tpu.memory_space<vmem>>
      %dma_wait3A_89 = tpu.memref_squeeze %dma_wait3A_88 : memref<1x128xi32, #tpu.memory_space<vmem>> -> memref<128xi32, #tpu.memory_space<vmem>>
      %dma_wait3A_90 = arith.constant 0 : i32
      %dma_wait3A_91 = arith.constant 0 : i32
      %dma_wait3A_92 = tpu.memref_slice %arg2[%dma_wait3A_90, %dma_wait3A_91] : memref<100016x32xf32, #tpu.memory_space<hbm>> -> memref<100016x32xf32, #tpu.memory_space<hbm>>
      tpu.wait_indirect_dma semaphore(%arg11 : memref<!tpu.dma_semaphore, #tpu.memory_space<semaphore_mem>>) src(%dma_wait3A_92 : memref<100016x32xf32, #tpu.memory_space<hbm>>) dst(%dma_wait3A_86 : memref<128x32xf32, #tpu.memory_space<vmem>>)
      %run_scoped3A = arith.constant 0 : i32
      "tpu.region"() ({
        %run_scoped3A_126 = tpu.sem_alloc : memref<!tpu.dma_semaphore, #tpu.memory_space<semaphore_mem>>
        %dma_start3A_127 = arith.constant 0 : i32
        %dma_start3A_128 = arith.constant 0 : i32
        %dma_start3A_129 = tpu.memref_slice %arg9[%dma_start3A_127, %dma_start3A_128] : memref<512x32xf32, #tpu.memory_space<vmem>> -> memref<128x32xf32, #tpu.memory_space<vmem>>
        %dma_start3A_130 = arith.constant 0 : i32
        %dma_start3A_131 = tpu.memref_slice %arg8[%run_scoped3A, %dma_start3A_130] : memref<4x128xi32, #tpu.memory_space<vmem>> -> memref<1x128xi32, #tpu.memory_space<vmem>>
        %dma_start3A_132 = tpu.memref_squeeze %dma_start3A_131 : memref<1x128xi32, #tpu.memory_space<vmem>> -> memref<128xi32, #tpu.memory_space<vmem>>
        %dma_start3A_133 = arith.constant 0 : i32
        %dma_start3A_134 = arith.constant 0 : i32
        %dma_start3A_135 = tpu.memref_slice %arg10[%dma_start3A_133, %dma_start3A_134] : memref<50048x32xf32, #tpu.memory_space<vmem_shared>> -> memref<50048x32xf32, #tpu.memory_space<vmem_shared>>
        tpu.enqueue_indirect_dma source(%dma_start3A_129 : memref<128x32xf32, #tpu.memory_space<vmem>>) target(%dma_start3A_135 : memref<50048x32xf32, #tpu.memory_space<vmem_shared>>) offsets(%dma_start3A_132 : memref<128xi32, #tpu.memory_space<vmem>>) semaphore(%run_scoped3A_126 : memref<!tpu.dma_semaphore, #tpu.memory_space<semaphore_mem>>) {add = true}
        %dma_wait3A_136 = arith.constant 0 : i32
        %dma_wait3A_137 = arith.constant 0 : i32
        %dma_wait3A_138 = tpu.memref_slice %arg9[%dma_wait3A_136, %dma_wait3A_137] : memref<512x32xf32, #tpu.memory_space<vmem>> -> memref<128x32xf32, #tpu.memory_space<vmem>>
        %dma_wait3A_139 = arith.constant 0 : i32
        %dma_wait3A_140 = tpu.memref_slice %arg8[%run_scoped3A, %dma_wait3A_139] : memref<4x128xi32, #tpu.memory_space<vmem>> -> memref<1x128xi32, #tpu.memory_space<vmem>>
        %dma_wait3A_141 = tpu.memref_squeeze %dma_wait3A_140 : memref<1x128xi32, #tpu.memory_space<vmem>> -> memref<128xi32, #tpu.memory_space<vmem>>
        %dma_wait3A_142 = arith.constant 0 : i32
        %dma_wait3A_143 = arith.constant 0 : i32
        %dma_wait3A_144 = tpu.memref_slice %arg10[%dma_wait3A_142, %dma_wait3A_143] : memref<50048x32xf32, #tpu.memory_space<vmem_shared>> -> memref<50048x32xf32, #tpu.memory_space<vmem_shared>>
        tpu.wait_indirect_dma semaphore(%run_scoped3A_126 : memref<!tpu.dma_semaphore, #tpu.memory_space<semaphore_mem>>) src(%dma_wait3A_138 : memref<128x32xf32, #tpu.memory_space<vmem>>) dst(%dma_wait3A_144 : memref<50048x32xf32, #tpu.memory_space<vmem_shared>>)
        tpu.yield
      }) : () -> ()
      %dma_wait3A_93 = arith.constant 1 : i32
      %dma_wait3A_94 = arith.constant 128 : i32
      %dma_wait3A_95 = arith.constant 0 : i32
      %dma_wait3A_96 = tpu.memref_slice %arg9[%dma_wait3A_94, %dma_wait3A_95] : memref<512x32xf32, #tpu.memory_space<vmem>> -> memref<128x32xf32, #tpu.memory_space<vmem>>
      %dma_wait3A_97 = arith.constant 0 : i32
      %dma_wait3A_98 = tpu.memref_slice %arg7[%dma_wait3A_93, %dma_wait3A_97] : memref<4x128xi32, #tpu.memory_space<vmem>> -> memref<1x128xi32, #tpu.memory_space<vmem>>
      %dma_wait3A_99 = tpu.memref_squeeze %dma_wait3A_98 : memref<1x128xi32, #tpu.memory_space<vmem>> -> memref<128xi32, #tpu.memory_space<vmem>>
      %dma_wait3A_100 = arith.constant 0 : i32
      %dma_wait3A_101 = arith.constant 0 : i32
      %dma_wait3A_102 = tpu.memref_slice %arg2[%dma_wait3A_100, %dma_wait3A_101] : memref<100016x32xf32, #tpu.memory_space<hbm>> -> memref<100016x32xf32, #tpu.memory_space<hbm>>
      tpu.wait_indirect_dma semaphore(%arg11 : memref<!tpu.dma_semaphore, #tpu.memory_space<semaphore_mem>>) src(%dma_wait3A_102 : memref<100016x32xf32, #tpu.memory_space<hbm>>) dst(%dma_wait3A_96 : memref<128x32xf32, #tpu.memory_space<vmem>>)
      %run_scoped3A_103 = arith.constant 1 : i32
      "tpu.region"() ({
        %run_scoped3A_126 = tpu.sem_alloc : memref<!tpu.dma_semaphore, #tpu.memory_space<semaphore_mem>>
        %dma_start3A_127 = arith.constant 128 : i32
        %dma_start3A_128 = arith.constant 0 : i32
        %dma_start3A_129 = tpu.memref_slice %arg9[%dma_start3A_127, %dma_start3A_128] : memref<512x32xf32, #tpu.memory_space<vmem>> -> memref<128x32xf32, #tpu.memory_space<vmem>>
        %dma_start3A_130 = arith.constant 0 : i32
        %dma_start3A_131 = tpu.memref_slice %arg8[%run_scoped3A_103, %dma_start3A_130] : memref<4x128xi32, #tpu.memory_space<vmem>> -> memref<1x128xi32, #tpu.memory_space<vmem>>
        %dma_start3A_132 = tpu.memref_squeeze %dma_start3A_131 : memref<1x128xi32, #tpu.memory_space<vmem>> -> memref<128xi32, #tpu.memory_space<vmem>>
        %dma_start3A_133 = arith.constant 0 : i32
        %dma_start3A_134 = arith.constant 0 : i32
        %dma_start3A_135 = tpu.memref_slice %arg10[%dma_start3A_133, %dma_start3A_134] : memref<50048x32xf32, #tpu.memory_space<vmem_shared>> -> memref<50048x32xf32, #tpu.memory_space<vmem_shared>>
        tpu.enqueue_indirect_dma source(%dma_start3A_129 : memref<128x32xf32, #tpu.memory_space<vmem>>) target(%dma_start3A_135 : memref<50048x32xf32, #tpu.memory_space<vmem_shared>>) offsets(%dma_start3A_132 : memref<128xi32, #tpu.memory_space<vmem>>) semaphore(%run_scoped3A_126 : memref<!tpu.dma_semaphore, #tpu.memory_space<semaphore_mem>>) {add = true}
        %dma_wait3A_136 = arith.constant 128 : i32
        %dma_wait3A_137 = arith.constant 0 : i32
        %dma_wait3A_138 = tpu.memref_slice %arg9[%dma_wait3A_136, %dma_wait3A_137] : memref<512x32xf32, #tpu.memory_space<vmem>> -> memref<128x32xf32, #tpu.memory_space<vmem>>
        %dma_wait3A_139 = arith.constant 0 : i32
        %dma_wait3A_140 = tpu.memref_slice %arg8[%run_scoped3A_103, %dma_wait3A_139] : memref<4x128xi32, #tpu.memory_space<vmem>> -> memref<1x128xi32, #tpu.memory_space<vmem>>
        %dma_wait3A_141 = tpu.memref_squeeze %dma_wait3A_140 : memref<1x128xi32, #tpu.memory_space<vmem>> -> memref<128xi32, #tpu.memory_space<vmem>>
        %dma_wait3A_142 = arith.constant 0 : i32
        %dma_wait3A_143 = arith.constant 0 : i32
        %dma_wait3A_144 = tpu.memref_slice %arg10[%dma_wait3A_142, %dma_wait3A_143] : memref<50048x32xf32, #tpu.memory_space<vmem_shared>> -> memref<50048x32xf32, #tpu.memory_space<vmem_shared>>
        tpu.wait_indirect_dma semaphore(%run_scoped3A_126 : memref<!tpu.dma_semaphore, #tpu.memory_space<semaphore_mem>>) src(%dma_wait3A_138 : memref<128x32xf32, #tpu.memory_space<vmem>>) dst(%dma_wait3A_144 : memref<50048x32xf32, #tpu.memory_space<vmem_shared>>)
        tpu.yield
      }) : () -> ()
      %dma_wait3A_104 = arith.constant 2 : i32
      %dma_wait3A_105 = arith.constant 256 : i32
      %dma_wait3A_106 = arith.constant 0 : i32
      %dma_wait3A_107 = tpu.memref_slice %arg9[%dma_wait3A_105, %dma_wait3A_106] : memref<512x32xf32, #tpu.memory_space<vmem>> -> memref<128x32xf32, #tpu.memory_space<vmem>>
      %dma_wait3A_108 = arith.constant 0 : i32
      %dma_wait3A_109 = tpu.memref_slice %arg7[%dma_wait3A_104, %dma_wait3A_108] : memref<4x128xi32, #tpu.memory_space<vmem>> -> memref<1x128xi32, #tpu.memory_space<vmem>>
      %dma_wait3A_110 = tpu.memref_squeeze %dma_wait3A_109 : memref<1x128xi32, #tpu.memory_space<vmem>> -> memref<128xi32, #tpu.memory_space<vmem>>
      %dma_wait3A_111 = arith.constant 0 : i32
      %dma_wait3A_112 = arith.constant 0 : i32
      %dma_wait3A_113 = tpu.memref_slice %arg2[%dma_wait3A_111, %dma_wait3A_112] : memref<100016x32xf32, #tpu.memory_space<hbm>> -> memref<100016x32xf32, #tpu.memory_space<hbm>>
      tpu.wait_indirect_dma semaphore(%arg11 : memref<!tpu.dma_semaphore, #tpu.memory_space<semaphore_mem>>) src(%dma_wait3A_113 : memref<100016x32xf32, #tpu.memory_space<hbm>>) dst(%dma_wait3A_107 : memref<128x32xf32, #tpu.memory_space<vmem>>)
      %run_scoped3A_114 = arith.constant 2 : i32
      "tpu.region"() ({
        %run_scoped3A_126 = tpu.sem_alloc : memref<!tpu.dma_semaphore, #tpu.memory_space<semaphore_mem>>
        %dma_start3A_127 = arith.constant 256 : i32
        %dma_start3A_128 = arith.constant 0 : i32
        %dma_start3A_129 = tpu.memref_slice %arg9[%dma_start3A_127, %dma_start3A_128] : memref<512x32xf32, #tpu.memory_space<vmem>> -> memref<128x32xf32, #tpu.memory_space<vmem>>
        %dma_start3A_130 = arith.constant 0 : i32
        %dma_start3A_131 = tpu.memref_slice %arg8[%run_scoped3A_114, %dma_start3A_130] : memref<4x128xi32, #tpu.memory_space<vmem>> -> memref<1x128xi32, #tpu.memory_space<vmem>>
        %dma_start3A_132 = tpu.memref_squeeze %dma_start3A_131 : memref<1x128xi32, #tpu.memory_space<vmem>> -> memref<128xi32, #tpu.memory_space<vmem>>
        %dma_start3A_133 = arith.constant 0 : i32
        %dma_start3A_134 = arith.constant 0 : i32
        %dma_start3A_135 = tpu.memref_slice %arg10[%dma_start3A_133, %dma_start3A_134] : memref<50048x32xf32, #tpu.memory_space<vmem_shared>> -> memref<50048x32xf32, #tpu.memory_space<vmem_shared>>
        tpu.enqueue_indirect_dma source(%dma_start3A_129 : memref<128x32xf32, #tpu.memory_space<vmem>>) target(%dma_start3A_135 : memref<50048x32xf32, #tpu.memory_space<vmem_shared>>) offsets(%dma_start3A_132 : memref<128xi32, #tpu.memory_space<vmem>>) semaphore(%run_scoped3A_126 : memref<!tpu.dma_semaphore, #tpu.memory_space<semaphore_mem>>) {add = true}
        %dma_wait3A_136 = arith.constant 256 : i32
        %dma_wait3A_137 = arith.constant 0 : i32
        %dma_wait3A_138 = tpu.memref_slice %arg9[%dma_wait3A_136, %dma_wait3A_137] : memref<512x32xf32, #tpu.memory_space<vmem>> -> memref<128x32xf32, #tpu.memory_space<vmem>>
        %dma_wait3A_139 = arith.constant 0 : i32
        %dma_wait3A_140 = tpu.memref_slice %arg8[%run_scoped3A_114, %dma_wait3A_139] : memref<4x128xi32, #tpu.memory_space<vmem>> -> memref<1x128xi32, #tpu.memory_space<vmem>>
        %dma_wait3A_141 = tpu.memref_squeeze %dma_wait3A_140 : memref<1x128xi32, #tpu.memory_space<vmem>> -> memref<128xi32, #tpu.memory_space<vmem>>
        %dma_wait3A_142 = arith.constant 0 : i32
        %dma_wait3A_143 = arith.constant 0 : i32
        %dma_wait3A_144 = tpu.memref_slice %arg10[%dma_wait3A_142, %dma_wait3A_143] : memref<50048x32xf32, #tpu.memory_space<vmem_shared>> -> memref<50048x32xf32, #tpu.memory_space<vmem_shared>>
        tpu.wait_indirect_dma semaphore(%run_scoped3A_126 : memref<!tpu.dma_semaphore, #tpu.memory_space<semaphore_mem>>) src(%dma_wait3A_138 : memref<128x32xf32, #tpu.memory_space<vmem>>) dst(%dma_wait3A_144 : memref<50048x32xf32, #tpu.memory_space<vmem_shared>>)
        tpu.yield
      }) : () -> ()
      %dma_wait3A_115 = arith.constant 3 : i32
      %dma_wait3A_116 = arith.constant 384 : i32
      %dma_wait3A_117 = arith.constant 0 : i32
      %dma_wait3A_118 = tpu.memref_slice %arg9[%dma_wait3A_116, %dma_wait3A_117] : memref<512x32xf32, #tpu.memory_space<vmem>> -> memref<128x32xf32, #tpu.memory_space<vmem>>
      %dma_wait3A_119 = arith.constant 0 : i32
      %dma_wait3A_120 = tpu.memref_slice %arg7[%dma_wait3A_115, %dma_wait3A_119] : memref<4x128xi32, #tpu.memory_space<vmem>> -> memref<1x128xi32, #tpu.memory_space<vmem>>
      %dma_wait3A_121 = tpu.memref_squeeze %dma_wait3A_120 : memref<1x128xi32, #tpu.memory_space<vmem>> -> memref<128xi32, #tpu.memory_space<vmem>>
      %dma_wait3A_122 = arith.constant 0 : i32
      %dma_wait3A_123 = arith.constant 0 : i32
      %dma_wait3A_124 = tpu.memref_slice %arg2[%dma_wait3A_122, %dma_wait3A_123] : memref<100016x32xf32, #tpu.memory_space<hbm>> -> memref<100016x32xf32, #tpu.memory_space<hbm>>
      tpu.wait_indirect_dma semaphore(%arg11 : memref<!tpu.dma_semaphore, #tpu.memory_space<semaphore_mem>>) src(%dma_wait3A_124 : memref<100016x32xf32, #tpu.memory_space<hbm>>) dst(%dma_wait3A_118 : memref<128x32xf32, #tpu.memory_space<vmem>>)
      %run_scoped3A_125 = arith.constant 3 : i32
      "tpu.region"() ({
        %run_scoped3A_126 = tpu.sem_alloc : memref<!tpu.dma_semaphore, #tpu.memory_space<semaphore_mem>>
        %dma_start3A_127 = arith.constant 384 : i32
        %dma_start3A_128 = arith.constant 0 : i32
        %dma_start3A_129 = tpu.memref_slice %arg9[%dma_start3A_127, %dma_start3A_128] : memref<512x32xf32, #tpu.memory_space<vmem>> -> memref<128x32xf32, #tpu.memory_space<vmem>>
        %dma_start3A_130 = arith.constant 0 : i32
        %dma_start3A_131 = tpu.memref_slice %arg8[%run_scoped3A_125, %dma_start3A_130] : memref<4x128xi32, #tpu.memory_space<vmem>> -> memref<1x128xi32, #tpu.memory_space<vmem>>
        %dma_start3A_132 = tpu.memref_squeeze %dma_start3A_131 : memref<1x128xi32, #tpu.memory_space<vmem>> -> memref<128xi32, #tpu.memory_space<vmem>>
        %dma_start3A_133 = arith.constant 0 : i32
        %dma_start3A_134 = arith.constant 0 : i32
        %dma_start3A_135 = tpu.memref_slice %arg10[%dma_start3A_133, %dma_start3A_134] : memref<50048x32xf32, #tpu.memory_space<vmem_shared>> -> memref<50048x32xf32, #tpu.memory_space<vmem_shared>>
        tpu.enqueue_indirect_dma source(%dma_start3A_129 : memref<128x32xf32, #tpu.memory_space<vmem>>) target(%dma_start3A_135 : memref<50048x32xf32, #tpu.memory_space<vmem_shared>>) offsets(%dma_start3A_132 : memref<128xi32, #tpu.memory_space<vmem>>) semaphore(%run_scoped3A_126 : memref<!tpu.dma_semaphore, #tpu.memory_space<semaphore_mem>>) {add = true}
        %dma_wait3A_136 = arith.constant 384 : i32
        %dma_wait3A_137 = arith.constant 0 : i32
        %dma_wait3A_138 = tpu.memref_slice %arg9[%dma_wait3A_136, %dma_wait3A_137] : memref<512x32xf32, #tpu.memory_space<vmem>> -> memref<128x32xf32, #tpu.memory_space<vmem>>
        %dma_wait3A_139 = arith.constant 0 : i32
        %dma_wait3A_140 = tpu.memref_slice %arg8[%run_scoped3A_125, %dma_wait3A_139] : memref<4x128xi32, #tpu.memory_space<vmem>> -> memref<1x128xi32, #tpu.memory_space<vmem>>
        %dma_wait3A_141 = tpu.memref_squeeze %dma_wait3A_140 : memref<1x128xi32, #tpu.memory_space<vmem>> -> memref<128xi32, #tpu.memory_space<vmem>>
        %dma_wait3A_142 = arith.constant 0 : i32
        %dma_wait3A_143 = arith.constant 0 : i32
        %dma_wait3A_144 = tpu.memref_slice %arg10[%dma_wait3A_142, %dma_wait3A_143] : memref<50048x32xf32, #tpu.memory_space<vmem_shared>> -> memref<50048x32xf32, #tpu.memory_space<vmem_shared>>
        tpu.wait_indirect_dma semaphore(%run_scoped3A_126 : memref<!tpu.dma_semaphore, #tpu.memory_space<semaphore_mem>>) src(%dma_wait3A_138 : memref<128x32xf32, #tpu.memory_space<vmem>>) dst(%dma_wait3A_144 : memref<50048x32xf32, #tpu.memory_space<vmem_shared>>)
        tpu.yield
      }) : () -> ()
    }
    %scan3A_29 = arith.constant 98 : i32
    %barrier3A_30 = arith.constant 0 : index
    tpu.barrier barrier_id(%barrier3A_30)
    %mul3A_31 = arith.constant 3128 : i32
    %mul3A_32 = arith.muli %arg1, %mul3A_31 : i32
    %mul3A_33 = arith.constant 50048 : i32
    %mul3A_34 = arith.muli %arg0, %mul3A_33 : i32
    %mul3A_35 = arith.constant 3128 : i32
    %mul3A_36 = arith.muli %arg1, %mul3A_35 : i32
    %add3A_37 = arith.addi %mul3A_34, %mul3A_36 : i32
    "tpu.region"() ({
      %run_scoped3A = tpu.sem_alloc : memref<!tpu.dma_semaphore, #tpu.memory_space<semaphore_mem>>
      %dma_start3A = arith.constant 0 : i32
      %dma_start3A_38 = tpu.memref_slice %arg6[%add3A_37, %dma_start3A] : memref<100096x32xf32, #tpu.memory_space<hbm>> -> memref<3128x32xf32, #tpu.memory_space<hbm>>
      %dma_start3A_39 = arith.constant 0 : i32
      %dma_start3A_40 = tpu.memref_slice %arg10[%mul3A_32, %dma_start3A_39] : memref<50048x32xf32, #tpu.memory_space<vmem_shared>> -> memref<3128x32xf32, #tpu.memory_space<vmem_shared>>
      tpu.enqueue_dma source(%dma_start3A_40 : memref<3128x32xf32, #tpu.memory_space<vmem_shared>>) target(%dma_start3A_38 : memref<3128x32xf32, #tpu.memory_space<hbm>>) target_semaphore(%run_scoped3A : memref<!tpu.dma_semaphore, #tpu.memory_space<semaphore_mem>>)
      %dma_wait3A = arith.constant 0 : i32
      %dma_wait3A_41 = tpu.memref_slice %arg6[%add3A_37, %dma_wait3A] : memref<100096x32xf32, #tpu.memory_space<hbm>> -> memref<3128x32xf32, #tpu.memory_space<hbm>>
      %dma_wait3A_42 = arith.constant 0 : i32
      %dma_wait3A_43 = tpu.memref_slice %arg10[%mul3A_32, %dma_wait3A_42] : memref<50048x32xf32, #tpu.memory_space<vmem_shared>> -> memref<3128x32xf32, #tpu.memory_space<vmem_shared>>
      tpu.wait_dma2 semaphore(%run_scoped3A : memref<!tpu.dma_semaphore, #tpu.memory_space<semaphore_mem>>) src(%dma_wait3A_43 : memref<3128x32xf32, #tpu.memory_space<vmem_shared>>) dst(%dma_wait3A_41 : memref<3128x32xf32, #tpu.memory_space<hbm>>)
      tpu.yield
    }) : () -> ()
    return
  }
}

#map = affine_map<(d0, d1) -> (0)>
#map1 = affine_map<(d0, d1) -> (0, 0)>
module attributes {stable_mosaic.version = 14 : i64} {
  func.func @_sc_deg_body(%arg0: i32, %arg1: i32, %arg2: memref<802816xi32, #tpu.memory_space<hbm>>, %arg3: memref<50048x16xf32, #tpu.memory_space<hbm>>, %arg4: memref<100096x16xf32, #tpu.memory_space<hbm>>, %arg5: memref<128x16xf32, #tpu.memory_space<vmem>>, %arg6: memref<128xi32, #tpu.memory_space<vmem>>, %arg7: memref<50048x16xf32, #tpu.memory_space<vmem_shared>>) attributes {dimension_semantics = [#tpu.dimension_semantics<core_parallel>, #tpu.dimension_semantics<subcore_parallel>], iteration_bounds = array<i64: 2, 16>, scalar_prefetch = 0 : i64, scratch_operands = 3 : i64, tpu.core_type = #tpu.core_type<sc_vector_subcore>, window_params = [{transform_indices = #map}, {transform_indices = #map1}, {transform_indices = #map1}]} {
    %scan3A = arith.constant 0 : i32
    %scan3A_0 = arith.constant 0 : i32
    %scan3A_1 = arith.constant 128 : i32
    %scan3A_2 = arith.addi %scan3A_0, %scan3A_1 : i32
    %scan3A_3 = arith.constant 1 : i32
    scf.for %scan3A_26 = %scan3A_0 to %scan3A_2 step %scan3A_3  : i32 {
      %broadcast_in_dim3A = arith.constant 1.000000e+00 : f32
      %broadcast_in_dim3A_27 = vector.broadcast %broadcast_in_dim3A : f32 to vector<16xf32>
      %swap3A = arith.index_cast %scan3A_26 : i32 to index
      %swap3A_28 = arith.constant 0 : index
      %swap3A_29 = tpu.vector_load %arg5[%swap3A, %swap3A_28] {strides = array<i32>} : memref<128x16xf32, #tpu.memory_space<vmem>>, vector<1x16xf32>,
      %swap3A_30 = vector.shape_cast %swap3A_29 : vector<1x16xf32> to vector<16xf32>
      %swap3A_31 = vector.shape_cast %broadcast_in_dim3A_27 : vector<16xf32> to vector<1x16xf32>
      tpu.vector_store %arg5[%swap3A, %swap3A_28], %swap3A_31 {strides = array<i32>} : memref<128x16xf32, #tpu.memory_space<vmem>>, vector<1x16xf32>,
    }
    %scan3A_4 = arith.constant 128 : i32
    %mul3A = arith.constant 3128 : i32
    %mul3A_5 = arith.muli %arg1, %mul3A : i32
    %mul3A_6 = arith.constant 3128 : i32
    %mul3A_7 = arith.muli %arg1, %mul3A_6 : i32
    "tpu.region"() ({
      %run_scoped3A = tpu.sem_alloc : memref<!tpu.dma_semaphore, #tpu.memory_space<semaphore_mem>>
      %dma_start3A = arith.constant 0 : i32
      %dma_start3A_26 = tpu.memref_slice %arg7[%mul3A_7, %dma_start3A] : memref<50048x16xf32, #tpu.memory_space<vmem_shared>> -> memref<3128x16xf32, #tpu.memory_space<vmem_shared>>
      %dma_start3A_27 = arith.constant 0 : i32
      %dma_start3A_28 = tpu.memref_slice %arg3[%mul3A_5, %dma_start3A_27] : memref<50048x16xf32, #tpu.memory_space<hbm>> -> memref<3128x16xf32, #tpu.memory_space<hbm>>
      tpu.enqueue_dma source(%dma_start3A_28 : memref<3128x16xf32, #tpu.memory_space<hbm>>) target(%dma_start3A_26 : memref<3128x16xf32, #tpu.memory_space<vmem_shared>>) target_semaphore(%run_scoped3A : memref<!tpu.dma_semaphore, #tpu.memory_space<semaphore_mem>>)
      %dma_wait3A = arith.constant 0 : i32
      %dma_wait3A_29 = tpu.memref_slice %arg7[%mul3A_7, %dma_wait3A] : memref<50048x16xf32, #tpu.memory_space<vmem_shared>> -> memref<3128x16xf32, #tpu.memory_space<vmem_shared>>
      %dma_wait3A_30 = arith.constant 0 : i32
      %dma_wait3A_31 = tpu.memref_slice %arg3[%mul3A_5, %dma_wait3A_30] : memref<50048x16xf32, #tpu.memory_space<hbm>> -> memref<3128x16xf32, #tpu.memory_space<hbm>>
      tpu.wait_dma2 semaphore(%run_scoped3A : memref<!tpu.dma_semaphore, #tpu.memory_space<semaphore_mem>>) src(%dma_wait3A_31 : memref<3128x16xf32, #tpu.memory_space<hbm>>) dst(%dma_wait3A_29 : memref<3128x16xf32, #tpu.memory_space<vmem_shared>>)
      tpu.yield
    }) : () -> ()
    %barrier3A = arith.constant 0 : index
    tpu.barrier barrier_id(%barrier3A)
    %mul3A_8 = arith.constant 401408 : i32
    %mul3A_9 = arith.muli %arg0, %mul3A_8 : i32
    %mul3A_10 = arith.constant 25088 : i32
    %mul3A_11 = arith.muli %arg1, %mul3A_10 : i32
    %add3A = arith.addi %mul3A_9, %mul3A_11 : i32
    %scan3A_12 = arith.constant 0 : i32
    %scan3A_13 = arith.constant 0 : i32
    %scan3A_14 = arith.constant 196 : i32
    %scan3A_15 = arith.addi %scan3A_13, %scan3A_14 : i32
    %scan3A_16 = arith.constant 1 : i32
    scf.for %scan3A_26 = %scan3A_13 to %scan3A_15 step %scan3A_16  : i32 {
      %mul3A_27 = arith.constant 128 : i32
      %mul3A_28 = arith.muli %scan3A_26, %mul3A_27 : i32
      %add3A_29 = arith.addi %add3A, %mul3A_28 : i32
      "tpu.region"() ({
        %run_scoped3A = tpu.sem_alloc : memref<!tpu.dma_semaphore, #tpu.memory_space<semaphore_mem>>
        %dma_start3A = tpu.memref_slice %arg2[%add3A_29] : memref<802816xi32, #tpu.memory_space<hbm>> -> memref<128xi32, #tpu.memory_space<hbm>>
        %dma_start3A_30 = tpu.memref_slice %arg2[%add3A_29] : memref<802816xi32, #tpu.memory_space<hbm>> -> memref<128xi32, #tpu.memory_space<hbm>>
        tpu.enqueue_dma source(%dma_start3A_30 : memref<128xi32, #tpu.memory_space<hbm>>) target(%arg6 : memref<128xi32, #tpu.memory_space<vmem>>) target_semaphore(%run_scoped3A : memref<!tpu.dma_semaphore, #tpu.memory_space<semaphore_mem>>)
        %dma_wait3A = tpu.memref_slice %arg2[%add3A_29] : memref<802816xi32, #tpu.memory_space<hbm>> -> memref<128xi32, #tpu.memory_space<hbm>>
        %dma_wait3A_31 = tpu.memref_slice %arg2[%add3A_29] : memref<802816xi32, #tpu.memory_space<hbm>> -> memref<128xi32, #tpu.memory_space<hbm>>
        tpu.wait_dma2 semaphore(%run_scoped3A : memref<!tpu.dma_semaphore, #tpu.memory_space<semaphore_mem>>) src(%dma_wait3A_31 : memref<128xi32, #tpu.memory_space<hbm>>) dst(%arg6 : memref<128xi32, #tpu.memory_space<vmem>>)
        tpu.yield
      }) : () -> ()
      "tpu.region"() ({
        %run_scoped3A = tpu.sem_alloc : memref<!tpu.dma_semaphore, #tpu.memory_space<semaphore_mem>>
        %dma_start3A = arith.constant 0 : i32
        %dma_start3A_30 = arith.constant 0 : i32
        %dma_start3A_31 = tpu.memref_slice %arg7[%dma_start3A, %dma_start3A_30] : memref<50048x16xf32, #tpu.memory_space<vmem_shared>> -> memref<50048x16xf32, #tpu.memory_space<vmem_shared>>
        tpu.enqueue_indirect_dma source(%arg5 : memref<128x16xf32, #tpu.memory_space<vmem>>) target(%dma_start3A_31 : memref<50048x16xf32, #tpu.memory_space<vmem_shared>>) offsets(%arg6 : memref<128xi32, #tpu.memory_space<vmem>>) semaphore(%run_scoped3A : memref<!tpu.dma_semaphore, #tpu.memory_space<semaphore_mem>>) {add = true}
        %dma_wait3A = arith.constant 0 : i32
        %dma_wait3A_32 = arith.constant 0 : i32
        %dma_wait3A_33 = tpu.memref_slice %arg7[%dma_wait3A, %dma_wait3A_32] : memref<50048x16xf32, #tpu.memory_space<vmem_shared>> -> memref<50048x16xf32, #tpu.memory_space<vmem_shared>>
        tpu.wait_indirect_dma semaphore(%run_scoped3A : memref<!tpu.dma_semaphore, #tpu.memory_space<semaphore_mem>>) src(%arg5 : memref<128x16xf32, #tpu.memory_space<vmem>>) dst(%dma_wait3A_33 : memref<50048x16xf32, #tpu.memory_space<vmem_shared>>)
        tpu.yield
      }) : () -> ()
    }
    %scan3A_17 = arith.constant 196 : i32
    %barrier3A_18 = arith.constant 0 : index
    tpu.barrier barrier_id(%barrier3A_18)
    %mul3A_19 = arith.constant 3128 : i32
    %mul3A_20 = arith.muli %arg1, %mul3A_19 : i32
    %mul3A_21 = arith.constant 50048 : i32
    %mul3A_22 = arith.muli %arg0, %mul3A_21 : i32
    %mul3A_23 = arith.constant 3128 : i32
    %mul3A_24 = arith.muli %arg1, %mul3A_23 : i32
    %add3A_25 = arith.addi %mul3A_22, %mul3A_24 : i32
    "tpu.region"() ({
      %run_scoped3A = tpu.sem_alloc : memref<!tpu.dma_semaphore, #tpu.memory_space<semaphore_mem>>
      %dma_start3A = arith.constant 0 : i32
      %dma_start3A_26 = tpu.memref_slice %arg4[%add3A_25, %dma_start3A] : memref<100096x16xf32, #tpu.memory_space<hbm>> -> memref<3128x16xf32, #tpu.memory_space<hbm>>
      %dma_start3A_27 = arith.constant 0 : i32
      %dma_start3A_28 = tpu.memref_slice %arg7[%mul3A_20, %dma_start3A_27] : memref<50048x16xf32, #tpu.memory_space<vmem_shared>> -> memref<3128x16xf32, #tpu.memory_space<vmem_shared>>
      tpu.enqueue_dma source(%dma_start3A_28 : memref<3128x16xf32, #tpu.memory_space<vmem_shared>>) target(%dma_start3A_26 : memref<3128x16xf32, #tpu.memory_space<hbm>>) target_semaphore(%run_scoped3A : memref<!tpu.dma_semaphore, #tpu.memory_space<semaphore_mem>>)
      %dma_wait3A = arith.constant 0 : i32
      %dma_wait3A_29 = tpu.memref_slice %arg4[%add3A_25, %dma_wait3A] : memref<100096x16xf32, #tpu.memory_space<hbm>> -> memref<3128x16xf32, #tpu.memory_space<hbm>>
      %dma_wait3A_30 = arith.constant 0 : i32
      %dma_wait3A_31 = tpu.memref_slice %arg7[%mul3A_20, %dma_wait3A_30] : memref<50048x16xf32, #tpu.memory_space<vmem_shared>> -> memref<3128x16xf32, #tpu.memory_space<vmem_shared>>
      tpu.wait_dma2 semaphore(%run_scoped3A : memref<!tpu.dma_semaphore, #tpu.memory_space<semaphore_mem>>) src(%dma_wait3A_31 : memref<3128x16xf32, #tpu.memory_space<vmem_shared>>) dst(%dma_wait3A_29 : memref<3128x16xf32, #tpu.memory_space<hbm>>)
      tpu.yield
    }) : () -> ()
    return
  }
}

#map = affine_map<(d0, d1) -> (0, 0)>
module attributes {stable_mosaic.version = 14 : i64} {
  func.func @_sc_agg_body(%arg0: i32, %arg1: i32, %arg2: memref<100016x32xf32, #tpu.memory_space<hbm>>, %arg3: memref<12544x128xi32, #tpu.memory_space<hbm>>, %arg4: memref<6272x128xi32, #tpu.memory_space<hbm>>, %arg5: memref<50048x32xf32, #tpu.memory_space<hbm>>, %arg6: memref<100096x32xf32, #tpu.memory_space<hbm>>, %arg7: memref<4x128xi32, #tpu.memory_space<vmem>>, %arg8: memref<4x128xi32, #tpu.memory_space<vmem>>, %arg9: memref<512x32xf32, #tpu.memory_space<vmem>>, %arg10: memref<50048x32xf32, #tpu.memory_space<vmem_shared>>, %arg11: memref<!tpu.dma_semaphore, #tpu.memory_space<semaphore_mem>>, %arg12: memref<!tpu.dma_semaphore, #tpu.memory_space<semaphore_mem>>) attributes {dimension_semantics = [#tpu.dimension_semantics<core_parallel>, #tpu.dimension_semantics<subcore_parallel>], iteration_bounds = array<i64: 2, 16>, scalar_prefetch = 0 : i64, scratch_operands = 6 : i64, tpu.core_type = #tpu.core_type<sc_vector_subcore>, window_params = [{transform_indices = #map}, {transform_indices = #map}, {transform_indices = #map}, {transform_indices = #map}, {transform_indices = #map}]} {
    %mul3A = arith.constant 3128 : i32
    %mul3A_0 = arith.muli %arg1, %mul3A : i32
    %mul3A_1 = arith.constant 3128 : i32
    %mul3A_2 = arith.muli %arg1, %mul3A_1 : i32
    "tpu.region"() ({
      %run_scoped3A = tpu.sem_alloc : memref<!tpu.dma_semaphore, #tpu.memory_space<semaphore_mem>>
      %dma_start3A = arith.constant 0 : i32
      %dma_start3A_38 = tpu.memref_slice %arg10[%mul3A_2, %dma_start3A] : memref<50048x32xf32, #tpu.memory_space<vmem_shared>> -> memref<3128x32xf32, #tpu.memory_space<vmem_shared>>
      %dma_start3A_39 = arith.constant 0 : i32
      %dma_start3A_40 = tpu.memref_slice %arg5[%mul3A_0, %dma_start3A_39] : memref<50048x32xf32, #tpu.memory_space<hbm>> -> memref<3128x32xf32, #tpu.memory_space<hbm>>
      tpu.enqueue_dma source(%dma_start3A_40 : memref<3128x32xf32, #tpu.memory_space<hbm>>) target(%dma_start3A_38 : memref<3128x32xf32, #tpu.memory_space<vmem_shared>>) target_semaphore(%run_scoped3A : memref<!tpu.dma_semaphore, #tpu.memory_space<semaphore_mem>>)
      %dma_wait3A = arith.constant 0 : i32
      %dma_wait3A_41 = tpu.memref_slice %arg10[%mul3A_2, %dma_wait3A] : memref<50048x32xf32, #tpu.memory_space<vmem_shared>> -> memref<3128x32xf32, #tpu.memory_space<vmem_shared>>
      %dma_wait3A_42 = arith.constant 0 : i32
      %dma_wait3A_43 = tpu.memref_slice %arg5[%mul3A_0, %dma_wait3A_42] : memref<50048x32xf32, #tpu.memory_space<hbm>> -> memref<3128x32xf32, #tpu.memory_space<hbm>>
      tpu.wait_dma2 semaphore(%run_scoped3A : memref<!tpu.dma_semaphore, #tpu.memory_space<semaphore_mem>>) src(%dma_wait3A_43 : memref<3128x32xf32, #tpu.memory_space<hbm>>) dst(%dma_wait3A_41 : memref<3128x32xf32, #tpu.memory_space<vmem_shared>>)
      tpu.yield
    }) : () -> ()
    %barrier3A = arith.constant 0 : index
    tpu.barrier barrier_id(%barrier3A)
    %mul3A_3 = arith.constant 802816 : i32
    %mul3A_4 = arith.muli %arg0, %mul3A_3 : i32
    %jit3A = arith.constant 128 : i32
    %div3A = arith.divsi %mul3A_4, %jit3A : i32
    %sign3A = arith.constant 0 : i32
    %sign3A_5 = arith.cmpi sgt, %mul3A_4, %sign3A : i32
    %sign3A_6 = arith.extui %sign3A_5 : i1 to i32
    %sign3A_7 = arith.constant 0 : i32
    %sign3A_8 = arith.cmpi slt, %mul3A_4, %sign3A_7 : i32
    %sign3A_9 = arith.extui %sign3A_8 : i1 to i32
    %sign3A_10 = arith.subi %sign3A_6, %sign3A_9 : i32
    %sign3A_11 = arith.constant 0 : i32
    %sign3A_12 = arith.cmpi sgt, %jit3A, %sign3A_11 : i32
    %sign3A_13 = arith.extui %sign3A_12 : i1 to i32
    %sign3A_14 = arith.constant 0 : i32
    %sign3A_15 = arith.cmpi slt, %jit3A, %sign3A_14 : i32
    %sign3A_16 = arith.extui %sign3A_15 : i1 to i32
    %sign3A_17 = arith.subi %sign3A_13, %sign3A_16 : i32
    %ne3A = arith.cmpi ne, %sign3A_10, %sign3A_17 : i32
    %rem3A = arith.remsi %mul3A_4, %jit3A : i32
    %ne3A_18 = arith.constant 0 : i32
    %ne3A_19 = arith.cmpi ne, %rem3A, %ne3A_18 : i32
    %and3A = arith.andi %ne3A, %ne3A_19 : i1
    %sub3A = arith.constant 1 : i32
    %sub3A_20 = arith.subi %div3A, %sub3A : i32
    %select_n3A = arith.select %and3A, %sub3A_20, %div3A : i32
    %mul3A_21 = arith.constant 392 : i32
    %mul3A_22 = arith.muli %arg1, %mul3A_21 : i32
    %add3A = arith.addi %select_n3A, %mul3A_22 : i32
    %mul3A_23 = arith.constant 392 : i32
    %mul3A_24 = arith.muli %arg1, %mul3A_23 : i32
    %scan3A = arith.constant 0 : i32
    %scan3A_25 = arith.constant 0 : i32
    %scan3A_26 = arith.constant 98 : i32
    %scan3A_27 = arith.addi %scan3A_25, %scan3A_26 : i32
    %scan3A_28 = arith.constant 1 : i32
    scf.for %scan3A_38 = %scan3A_25 to %scan3A_27 step %scan3A_28  : i32 {
      %mul3A_39 = arith.constant 4 : i32
      %mul3A_40 = arith.muli %scan3A_38, %mul3A_39 : i32
      %add3A_41 = arith.addi %add3A, %mul3A_40 : i32
      "tpu.region"() ({
        %run_scoped3A_126 = tpu.sem_alloc : memref<!tpu.dma_semaphore, #tpu.memory_space<semaphore_mem>>
        %dma_start3A_127 = arith.constant 0 : i32
        %dma_start3A_128 = tpu.memref_slice %arg3[%add3A_41, %dma_start3A_127] : memref<12544x128xi32, #tpu.memory_space<hbm>> -> memref<4x128xi32, #tpu.memory_space<hbm>>
        %dma_start3A_129 = arith.constant 0 : i32
        %dma_start3A_130 = tpu.memref_slice %arg3[%add3A_41, %dma_start3A_129] : memref<12544x128xi32, #tpu.memory_space<hbm>> -> memref<4x128xi32, #tpu.memory_space<hbm>>
        tpu.enqueue_dma source(%dma_start3A_130 : memref<4x128xi32, #tpu.memory_space<hbm>>) target(%arg7 : memref<4x128xi32, #tpu.memory_space<vmem>>) target_semaphore(%run_scoped3A_126 : memref<!tpu.dma_semaphore, #tpu.memory_space<semaphore_mem>>)
        %dma_wait3A_131 = arith.constant 0 : i32
        %dma_wait3A_132 = tpu.memref_slice %arg3[%add3A_41, %dma_wait3A_131] : memref<12544x128xi32, #tpu.memory_space<hbm>> -> memref<4x128xi32, #tpu.memory_space<hbm>>
        %dma_wait3A_133 = arith.constant 0 : i32
        %dma_wait3A_134 = tpu.memref_slice %arg3[%add3A_41, %dma_wait3A_133] : memref<12544x128xi32, #tpu.memory_space<hbm>> -> memref<4x128xi32, #tpu.memory_space<hbm>>
        tpu.wait_dma2 semaphore(%run_scoped3A_126 : memref<!tpu.dma_semaphore, #tpu.memory_space<semaphore_mem>>) src(%dma_wait3A_134 : memref<4x128xi32, #tpu.memory_space<hbm>>) dst(%arg7 : memref<4x128xi32, #tpu.memory_space<vmem>>)
        tpu.yield
      }) : () -> ()
      %mul3A_42 = arith.constant 4 : i32
      %mul3A_43 = arith.muli %scan3A_38, %mul3A_42 : i32
      %add3A_44 = arith.addi %mul3A_24, %mul3A_43 : i32
      "tpu.region"() ({
        %run_scoped3A_126 = tpu.sem_alloc : memref<!tpu.dma_semaphore, #tpu.memory_space<semaphore_mem>>
        %dma_start3A_127 = arith.constant 0 : i32
        %dma_start3A_128 = tpu.memref_slice %arg4[%add3A_44, %dma_start3A_127] : memref<6272x128xi32, #tpu.memory_space<hbm>> -> memref<4x128xi32, #tpu.memory_space<hbm>>
        %dma_start3A_129 = arith.constant 0 : i32
        %dma_start3A_130 = tpu.memref_slice %arg4[%add3A_44, %dma_start3A_129] : memref<6272x128xi32, #tpu.memory_space<hbm>> -> memref<4x128xi32, #tpu.memory_space<hbm>>
        tpu.enqueue_dma source(%dma_start3A_130 : memref<4x128xi32, #tpu.memory_space<hbm>>) target(%arg8 : memref<4x128xi32, #tpu.memory_space<vmem>>) target_semaphore(%run_scoped3A_126 : memref<!tpu.dma_semaphore, #tpu.memory_space<semaphore_mem>>)
        %dma_wait3A_131 = arith.constant 0 : i32
        %dma_wait3A_132 = tpu.memref_slice %arg4[%add3A_44, %dma_wait3A_131] : memref<6272x128xi32, #tpu.memory_space<hbm>> -> memref<4x128xi32, #tpu.memory_space<hbm>>
        %dma_wait3A_133 = arith.constant 0 : i32
        %dma_wait3A_134 = tpu.memref_slice %arg4[%add3A_44, %dma_wait3A_133] : memref<6272x128xi32, #tpu.memory_space<hbm>> -> memref<4x128xi32, #tpu.memory_space<hbm>>
        tpu.wait_dma2 semaphore(%run_scoped3A_126 : memref<!tpu.dma_semaphore, #tpu.memory_space<semaphore_mem>>) src(%dma_wait3A_134 : memref<4x128xi32, #tpu.memory_space<hbm>>) dst(%arg8 : memref<4x128xi32, #tpu.memory_space<vmem>>)
        tpu.yield
      }) : () -> ()
      %dma_start3A = arith.constant 0 : i32
      %dma_start3A_45 = arith.constant 0 : i32
      %dma_start3A_46 = arith.constant 0 : i32
      %dma_start3A_47 = tpu.memref_slice %arg9[%dma_start3A_45, %dma_start3A_46] : memref<512x32xf32, #tpu.memory_space<vmem>> -> memref<128x32xf32, #tpu.memory_space<vmem>>
      %dma_start3A_48 = arith.constant 0 : i32
      %dma_start3A_49 = tpu.memref_slice %arg7[%dma_start3A, %dma_start3A_48] : memref<4x128xi32, #tpu.memory_space<vmem>> -> memref<1x128xi32, #tpu.memory_space<vmem>>
      %dma_start3A_50 = tpu.memref_squeeze %dma_start3A_49 : memref<1x128xi32, #tpu.memory_space<vmem>> -> memref<128xi32, #tpu.memory_space<vmem>>
      %dma_start3A_51 = arith.constant 0 : i32
      %dma_start3A_52 = arith.constant 0 : i32
      %dma_start3A_53 = tpu.memref_slice %arg2[%dma_start3A_51, %dma_start3A_52] : memref<100016x32xf32, #tpu.memory_space<hbm>> -> memref<100016x32xf32, #tpu.memory_space<hbm>>
      tpu.enqueue_indirect_dma source(%dma_start3A_53 : memref<100016x32xf32, #tpu.memory_space<hbm>>) target(%dma_start3A_47 : memref<128x32xf32, #tpu.memory_space<vmem>>) offsets(%dma_start3A_50 : memref<128xi32, #tpu.memory_space<vmem>>) semaphore(%arg11 : memref<!tpu.dma_semaphore, #tpu.memory_space<semaphore_mem>>)
      %dma_start3A_54 = arith.constant 1 : i32
      %dma_start3A_55 = arith.constant 128 : i32
      %dma_start3A_56 = arith.constant 0 : i32
      %dma_start3A_57 = tpu.memref_slice %arg9[%dma_start3A_55, %dma_start3A_56] : memref<512x32xf32, #tpu.memory_space<vmem>> -> memref<128x32xf32, #tpu.memory_space<vmem>>
      %dma_start3A_58 = arith.constant 0 : i32
      %dma_start3A_59 = tpu.memref_slice %arg7[%dma_start3A_54, %dma_start3A_58] : memref<4x128xi32, #tpu.memory_space<vmem>> -> memref<1x128xi32, #tpu.memory_space<vmem>>
      %dma_start3A_60 = tpu.memref_squeeze %dma_start3A_59 : memref<1x128xi32, #tpu.memory_space<vmem>> -> memref<128xi32, #tpu.memory_space<vmem>>
      %dma_start3A_61 = arith.constant 0 : i32
      %dma_start3A_62 = arith.constant 0 : i32
      %dma_start3A_63 = tpu.memref_slice %arg2[%dma_start3A_61, %dma_start3A_62] : memref<100016x32xf32, #tpu.memory_space<hbm>> -> memref<100016x32xf32, #tpu.memory_space<hbm>>
      tpu.enqueue_indirect_dma source(%dma_start3A_63 : memref<100016x32xf32, #tpu.memory_space<hbm>>) target(%dma_start3A_57 : memref<128x32xf32, #tpu.memory_space<vmem>>) offsets(%dma_start3A_60 : memref<128xi32, #tpu.memory_space<vmem>>) semaphore(%arg11 : memref<!tpu.dma_semaphore, #tpu.memory_space<semaphore_mem>>)
      %dma_start3A_64 = arith.constant 2 : i32
      %dma_start3A_65 = arith.constant 256 : i32
      %dma_start3A_66 = arith.constant 0 : i32
      %dma_start3A_67 = tpu.memref_slice %arg9[%dma_start3A_65, %dma_start3A_66] : memref<512x32xf32, #tpu.memory_space<vmem>> -> memref<128x32xf32, #tpu.memory_space<vmem>>
      %dma_start3A_68 = arith.constant 0 : i32
      %dma_start3A_69 = tpu.memref_slice %arg7[%dma_start3A_64, %dma_start3A_68] : memref<4x128xi32, #tpu.memory_space<vmem>> -> memref<1x128xi32, #tpu.memory_space<vmem>>
      %dma_start3A_70 = tpu.memref_squeeze %dma_start3A_69 : memref<1x128xi32, #tpu.memory_space<vmem>> -> memref<128xi32, #tpu.memory_space<vmem>>
      %dma_start3A_71 = arith.constant 0 : i32
      %dma_start3A_72 = arith.constant 0 : i32
      %dma_start3A_73 = tpu.memref_slice %arg2[%dma_start3A_71, %dma_start3A_72] : memref<100016x32xf32, #tpu.memory_space<hbm>> -> memref<100016x32xf32, #tpu.memory_space<hbm>>
      tpu.enqueue_indirect_dma source(%dma_start3A_73 : memref<100016x32xf32, #tpu.memory_space<hbm>>) target(%dma_start3A_67 : memref<128x32xf32, #tpu.memory_space<vmem>>) offsets(%dma_start3A_70 : memref<128xi32, #tpu.memory_space<vmem>>) semaphore(%arg11 : memref<!tpu.dma_semaphore, #tpu.memory_space<semaphore_mem>>)
      %dma_start3A_74 = arith.constant 3 : i32
      %dma_start3A_75 = arith.constant 384 : i32
      %dma_start3A_76 = arith.constant 0 : i32
      %dma_start3A_77 = tpu.memref_slice %arg9[%dma_start3A_75, %dma_start3A_76] : memref<512x32xf32, #tpu.memory_space<vmem>> -> memref<128x32xf32, #tpu.memory_space<vmem>>
      %dma_start3A_78 = arith.constant 0 : i32
      %dma_start3A_79 = tpu.memref_slice %arg7[%dma_start3A_74, %dma_start3A_78] : memref<4x128xi32, #tpu.memory_space<vmem>> -> memref<1x128xi32, #tpu.memory_space<vmem>>
      %dma_start3A_80 = tpu.memref_squeeze %dma_start3A_79 : memref<1x128xi32, #tpu.memory_space<vmem>> -> memref<128xi32, #tpu.memory_space<vmem>>
      %dma_start3A_81 = arith.constant 0 : i32
      %dma_start3A_82 = arith.constant 0 : i32
      %dma_start3A_83 = tpu.memref_slice %arg2[%dma_start3A_81, %dma_start3A_82] : memref<100016x32xf32, #tpu.memory_space<hbm>> -> memref<100016x32xf32, #tpu.memory_space<hbm>>
      tpu.enqueue_indirect_dma source(%dma_start3A_83 : memref<100016x32xf32, #tpu.memory_space<hbm>>) target(%dma_start3A_77 : memref<128x32xf32, #tpu.memory_space<vmem>>) offsets(%dma_start3A_80 : memref<128xi32, #tpu.memory_space<vmem>>) semaphore(%arg11 : memref<!tpu.dma_semaphore, #tpu.memory_space<semaphore_mem>>)
      %dma_wait3A = arith.constant 0 : i32
      %dma_wait3A_84 = arith.constant 0 : i32
      %dma_wait3A_85 = arith.constant 0 : i32
      %dma_wait3A_86 = tpu.memref_slice %arg9[%dma_wait3A_84, %dma_wait3A_85] : memref<512x32xf32, #tpu.memory_space<vmem>> -> memref<128x32xf32, #tpu.memory_space<vmem>>
      %dma_wait3A_87 = arith.constant 0 : i32
      %dma_wait3A_88 = tpu.memref_slice %arg7[%dma_wait3A, %dma_wait3A_87] : memref<4x128xi32, #tpu.memory_space<vmem>> -> memref<1x128xi32, #tpu.memory_space<vmem>>
      %dma_wait3A_89 = tpu.memref_squeeze %dma_wait3A_88 : memref<1x128xi32, #tpu.memory_space<vmem>> -> memref<128xi32, #tpu.memory_space<vmem>>
      %dma_wait3A_90 = arith.constant 0 : i32
      %dma_wait3A_91 = arith.constant 0 : i32
      %dma_wait3A_92 = tpu.memref_slice %arg2[%dma_wait3A_90, %dma_wait3A_91] : memref<100016x32xf32, #tpu.memory_space<hbm>> -> memref<100016x32xf32, #tpu.memory_space<hbm>>
      tpu.wait_indirect_dma semaphore(%arg11 : memref<!tpu.dma_semaphore, #tpu.memory_space<semaphore_mem>>) src(%dma_wait3A_92 : memref<100016x32xf32, #tpu.memory_space<hbm>>) dst(%dma_wait3A_86 : memref<128x32xf32, #tpu.memory_space<vmem>>)
      %run_scoped3A = arith.constant 0 : i32
      "tpu.region"() ({
        %run_scoped3A_126 = tpu.sem_alloc : memref<!tpu.dma_semaphore, #tpu.memory_space<semaphore_mem>>
        %dma_start3A_127 = arith.constant 0 : i32
        %dma_start3A_128 = arith.constant 0 : i32
        %dma_start3A_129 = tpu.memref_slice %arg9[%dma_start3A_127, %dma_start3A_128] : memref<512x32xf32, #tpu.memory_space<vmem>> -> memref<128x32xf32, #tpu.memory_space<vmem>>
        %dma_start3A_130 = arith.constant 0 : i32
        %dma_start3A_131 = tpu.memref_slice %arg8[%run_scoped3A, %dma_start3A_130] : memref<4x128xi32, #tpu.memory_space<vmem>> -> memref<1x128xi32, #tpu.memory_space<vmem>>
        %dma_start3A_132 = tpu.memref_squeeze %dma_start3A_131 : memref<1x128xi32, #tpu.memory_space<vmem>> -> memref<128xi32, #tpu.memory_space<vmem>>
        %dma_start3A_133 = arith.constant 0 : i32
        %dma_start3A_134 = arith.constant 0 : i32
        %dma_start3A_135 = tpu.memref_slice %arg10[%dma_start3A_133, %dma_start3A_134] : memref<50048x32xf32, #tpu.memory_space<vmem_shared>> -> memref<50048x32xf32, #tpu.memory_space<vmem_shared>>
        tpu.enqueue_indirect_dma source(%dma_start3A_129 : memref<128x32xf32, #tpu.memory_space<vmem>>) target(%dma_start3A_135 : memref<50048x32xf32, #tpu.memory_space<vmem_shared>>) offsets(%dma_start3A_132 : memref<128xi32, #tpu.memory_space<vmem>>) semaphore(%run_scoped3A_126 : memref<!tpu.dma_semaphore, #tpu.memory_space<semaphore_mem>>) {add = true}
        %dma_wait3A_136 = arith.constant 0 : i32
        %dma_wait3A_137 = arith.constant 0 : i32
        %dma_wait3A_138 = tpu.memref_slice %arg9[%dma_wait3A_136, %dma_wait3A_137] : memref<512x32xf32, #tpu.memory_space<vmem>> -> memref<128x32xf32, #tpu.memory_space<vmem>>
        %dma_wait3A_139 = arith.constant 0 : i32
        %dma_wait3A_140 = tpu.memref_slice %arg8[%run_scoped3A, %dma_wait3A_139] : memref<4x128xi32, #tpu.memory_space<vmem>> -> memref<1x128xi32, #tpu.memory_space<vmem>>
        %dma_wait3A_141 = tpu.memref_squeeze %dma_wait3A_140 : memref<1x128xi32, #tpu.memory_space<vmem>> -> memref<128xi32, #tpu.memory_space<vmem>>
        %dma_wait3A_142 = arith.constant 0 : i32
        %dma_wait3A_143 = arith.constant 0 : i32
        %dma_wait3A_144 = tpu.memref_slice %arg10[%dma_wait3A_142, %dma_wait3A_143] : memref<50048x32xf32, #tpu.memory_space<vmem_shared>> -> memref<50048x32xf32, #tpu.memory_space<vmem_shared>>
        tpu.wait_indirect_dma semaphore(%run_scoped3A_126 : memref<!tpu.dma_semaphore, #tpu.memory_space<semaphore_mem>>) src(%dma_wait3A_138 : memref<128x32xf32, #tpu.memory_space<vmem>>) dst(%dma_wait3A_144 : memref<50048x32xf32, #tpu.memory_space<vmem_shared>>)
        tpu.yield
      }) : () -> ()
      %dma_wait3A_93 = arith.constant 1 : i32
      %dma_wait3A_94 = arith.constant 128 : i32
      %dma_wait3A_95 = arith.constant 0 : i32
      %dma_wait3A_96 = tpu.memref_slice %arg9[%dma_wait3A_94, %dma_wait3A_95] : memref<512x32xf32, #tpu.memory_space<vmem>> -> memref<128x32xf32, #tpu.memory_space<vmem>>
      %dma_wait3A_97 = arith.constant 0 : i32
      %dma_wait3A_98 = tpu.memref_slice %arg7[%dma_wait3A_93, %dma_wait3A_97] : memref<4x128xi32, #tpu.memory_space<vmem>> -> memref<1x128xi32, #tpu.memory_space<vmem>>
      %dma_wait3A_99 = tpu.memref_squeeze %dma_wait3A_98 : memref<1x128xi32, #tpu.memory_space<vmem>> -> memref<128xi32, #tpu.memory_space<vmem>>
      %dma_wait3A_100 = arith.constant 0 : i32
      %dma_wait3A_101 = arith.constant 0 : i32
      %dma_wait3A_102 = tpu.memref_slice %arg2[%dma_wait3A_100, %dma_wait3A_101] : memref<100016x32xf32, #tpu.memory_space<hbm>> -> memref<100016x32xf32, #tpu.memory_space<hbm>>
      tpu.wait_indirect_dma semaphore(%arg11 : memref<!tpu.dma_semaphore, #tpu.memory_space<semaphore_mem>>) src(%dma_wait3A_102 : memref<100016x32xf32, #tpu.memory_space<hbm>>) dst(%dma_wait3A_96 : memref<128x32xf32, #tpu.memory_space<vmem>>)
      %run_scoped3A_103 = arith.constant 1 : i32
      "tpu.region"() ({
        %run_scoped3A_126 = tpu.sem_alloc : memref<!tpu.dma_semaphore, #tpu.memory_space<semaphore_mem>>
        %dma_start3A_127 = arith.constant 128 : i32
        %dma_start3A_128 = arith.constant 0 : i32
        %dma_start3A_129 = tpu.memref_slice %arg9[%dma_start3A_127, %dma_start3A_128] : memref<512x32xf32, #tpu.memory_space<vmem>> -> memref<128x32xf32, #tpu.memory_space<vmem>>
        %dma_start3A_130 = arith.constant 0 : i32
        %dma_start3A_131 = tpu.memref_slice %arg8[%run_scoped3A_103, %dma_start3A_130] : memref<4x128xi32, #tpu.memory_space<vmem>> -> memref<1x128xi32, #tpu.memory_space<vmem>>
        %dma_start3A_132 = tpu.memref_squeeze %dma_start3A_131 : memref<1x128xi32, #tpu.memory_space<vmem>> -> memref<128xi32, #tpu.memory_space<vmem>>
        %dma_start3A_133 = arith.constant 0 : i32
        %dma_start3A_134 = arith.constant 0 : i32
        %dma_start3A_135 = tpu.memref_slice %arg10[%dma_start3A_133, %dma_start3A_134] : memref<50048x32xf32, #tpu.memory_space<vmem_shared>> -> memref<50048x32xf32, #tpu.memory_space<vmem_shared>>
        tpu.enqueue_indirect_dma source(%dma_start3A_129 : memref<128x32xf32, #tpu.memory_space<vmem>>) target(%dma_start3A_135 : memref<50048x32xf32, #tpu.memory_space<vmem_shared>>) offsets(%dma_start3A_132 : memref<128xi32, #tpu.memory_space<vmem>>) semaphore(%run_scoped3A_126 : memref<!tpu.dma_semaphore, #tpu.memory_space<semaphore_mem>>) {add = true}
        %dma_wait3A_136 = arith.constant 128 : i32
        %dma_wait3A_137 = arith.constant 0 : i32
        %dma_wait3A_138 = tpu.memref_slice %arg9[%dma_wait3A_136, %dma_wait3A_137] : memref<512x32xf32, #tpu.memory_space<vmem>> -> memref<128x32xf32, #tpu.memory_space<vmem>>
        %dma_wait3A_139 = arith.constant 0 : i32
        %dma_wait3A_140 = tpu.memref_slice %arg8[%run_scoped3A_103, %dma_wait3A_139] : memref<4x128xi32, #tpu.memory_space<vmem>> -> memref<1x128xi32, #tpu.memory_space<vmem>>
        %dma_wait3A_141 = tpu.memref_squeeze %dma_wait3A_140 : memref<1x128xi32, #tpu.memory_space<vmem>> -> memref<128xi32, #tpu.memory_space<vmem>>
        %dma_wait3A_142 = arith.constant 0 : i32
        %dma_wait3A_143 = arith.constant 0 : i32
        %dma_wait3A_144 = tpu.memref_slice %arg10[%dma_wait3A_142, %dma_wait3A_143] : memref<50048x32xf32, #tpu.memory_space<vmem_shared>> -> memref<50048x32xf32, #tpu.memory_space<vmem_shared>>
        tpu.wait_indirect_dma semaphore(%run_scoped3A_126 : memref<!tpu.dma_semaphore, #tpu.memory_space<semaphore_mem>>) src(%dma_wait3A_138 : memref<128x32xf32, #tpu.memory_space<vmem>>) dst(%dma_wait3A_144 : memref<50048x32xf32, #tpu.memory_space<vmem_shared>>)
        tpu.yield
      }) : () -> ()
      %dma_wait3A_104 = arith.constant 2 : i32
      %dma_wait3A_105 = arith.constant 256 : i32
      %dma_wait3A_106 = arith.constant 0 : i32
      %dma_wait3A_107 = tpu.memref_slice %arg9[%dma_wait3A_105, %dma_wait3A_106] : memref<512x32xf32, #tpu.memory_space<vmem>> -> memref<128x32xf32, #tpu.memory_space<vmem>>
      %dma_wait3A_108 = arith.constant 0 : i32
      %dma_wait3A_109 = tpu.memref_slice %arg7[%dma_wait3A_104, %dma_wait3A_108] : memref<4x128xi32, #tpu.memory_space<vmem>> -> memref<1x128xi32, #tpu.memory_space<vmem>>
      %dma_wait3A_110 = tpu.memref_squeeze %dma_wait3A_109 : memref<1x128xi32, #tpu.memory_space<vmem>> -> memref<128xi32, #tpu.memory_space<vmem>>
      %dma_wait3A_111 = arith.constant 0 : i32
      %dma_wait3A_112 = arith.constant 0 : i32
      %dma_wait3A_113 = tpu.memref_slice %arg2[%dma_wait3A_111, %dma_wait3A_112] : memref<100016x32xf32, #tpu.memory_space<hbm>> -> memref<100016x32xf32, #tpu.memory_space<hbm>>
      tpu.wait_indirect_dma semaphore(%arg11 : memref<!tpu.dma_semaphore, #tpu.memory_space<semaphore_mem>>) src(%dma_wait3A_113 : memref<100016x32xf32, #tpu.memory_space<hbm>>) dst(%dma_wait3A_107 : memref<128x32xf32, #tpu.memory_space<vmem>>)
      %run_scoped3A_114 = arith.constant 2 : i32
      "tpu.region"() ({
        %run_scoped3A_126 = tpu.sem_alloc : memref<!tpu.dma_semaphore, #tpu.memory_space<semaphore_mem>>
        %dma_start3A_127 = arith.constant 256 : i32
        %dma_start3A_128 = arith.constant 0 : i32
        %dma_start3A_129 = tpu.memref_slice %arg9[%dma_start3A_127, %dma_start3A_128] : memref<512x32xf32, #tpu.memory_space<vmem>> -> memref<128x32xf32, #tpu.memory_space<vmem>>
        %dma_start3A_130 = arith.constant 0 : i32
        %dma_start3A_131 = tpu.memref_slice %arg8[%run_scoped3A_114, %dma_start3A_130] : memref<4x128xi32, #tpu.memory_space<vmem>> -> memref<1x128xi32, #tpu.memory_space<vmem>>
        %dma_start3A_132 = tpu.memref_squeeze %dma_start3A_131 : memref<1x128xi32, #tpu.memory_space<vmem>> -> memref<128xi32, #tpu.memory_space<vmem>>
        %dma_start3A_133 = arith.constant 0 : i32
        %dma_start3A_134 = arith.constant 0 : i32
        %dma_start3A_135 = tpu.memref_slice %arg10[%dma_start3A_133, %dma_start3A_134] : memref<50048x32xf32, #tpu.memory_space<vmem_shared>> -> memref<50048x32xf32, #tpu.memory_space<vmem_shared>>
        tpu.enqueue_indirect_dma source(%dma_start3A_129 : memref<128x32xf32, #tpu.memory_space<vmem>>) target(%dma_start3A_135 : memref<50048x32xf32, #tpu.memory_space<vmem_shared>>) offsets(%dma_start3A_132 : memref<128xi32, #tpu.memory_space<vmem>>) semaphore(%run_scoped3A_126 : memref<!tpu.dma_semaphore, #tpu.memory_space<semaphore_mem>>) {add = true}
        %dma_wait3A_136 = arith.constant 256 : i32
        %dma_wait3A_137 = arith.constant 0 : i32
        %dma_wait3A_138 = tpu.memref_slice %arg9[%dma_wait3A_136, %dma_wait3A_137] : memref<512x32xf32, #tpu.memory_space<vmem>> -> memref<128x32xf32, #tpu.memory_space<vmem>>
        %dma_wait3A_139 = arith.constant 0 : i32
        %dma_wait3A_140 = tpu.memref_slice %arg8[%run_scoped3A_114, %dma_wait3A_139] : memref<4x128xi32, #tpu.memory_space<vmem>> -> memref<1x128xi32, #tpu.memory_space<vmem>>
        %dma_wait3A_141 = tpu.memref_squeeze %dma_wait3A_140 : memref<1x128xi32, #tpu.memory_space<vmem>> -> memref<128xi32, #tpu.memory_space<vmem>>
        %dma_wait3A_142 = arith.constant 0 : i32
        %dma_wait3A_143 = arith.constant 0 : i32
        %dma_wait3A_144 = tpu.memref_slice %arg10[%dma_wait3A_142, %dma_wait3A_143] : memref<50048x32xf32, #tpu.memory_space<vmem_shared>> -> memref<50048x32xf32, #tpu.memory_space<vmem_shared>>
        tpu.wait_indirect_dma semaphore(%run_scoped3A_126 : memref<!tpu.dma_semaphore, #tpu.memory_space<semaphore_mem>>) src(%dma_wait3A_138 : memref<128x32xf32, #tpu.memory_space<vmem>>) dst(%dma_wait3A_144 : memref<50048x32xf32, #tpu.memory_space<vmem_shared>>)
        tpu.yield
      }) : () -> ()
      %dma_wait3A_115 = arith.constant 3 : i32
      %dma_wait3A_116 = arith.constant 384 : i32
      %dma_wait3A_117 = arith.constant 0 : i32
      %dma_wait3A_118 = tpu.memref_slice %arg9[%dma_wait3A_116, %dma_wait3A_117] : memref<512x32xf32, #tpu.memory_space<vmem>> -> memref<128x32xf32, #tpu.memory_space<vmem>>
      %dma_wait3A_119 = arith.constant 0 : i32
      %dma_wait3A_120 = tpu.memref_slice %arg7[%dma_wait3A_115, %dma_wait3A_119] : memref<4x128xi32, #tpu.memory_space<vmem>> -> memref<1x128xi32, #tpu.memory_space<vmem>>
      %dma_wait3A_121 = tpu.memref_squeeze %dma_wait3A_120 : memref<1x128xi32, #tpu.memory_space<vmem>> -> memref<128xi32, #tpu.memory_space<vmem>>
      %dma_wait3A_122 = arith.constant 0 : i32
      %dma_wait3A_123 = arith.constant 0 : i32
      %dma_wait3A_124 = tpu.memref_slice %arg2[%dma_wait3A_122, %dma_wait3A_123] : memref<100016x32xf32, #tpu.memory_space<hbm>> -> memref<100016x32xf32, #tpu.memory_space<hbm>>
      tpu.wait_indirect_dma semaphore(%arg11 : memref<!tpu.dma_semaphore, #tpu.memory_space<semaphore_mem>>) src(%dma_wait3A_124 : memref<100016x32xf32, #tpu.memory_space<hbm>>) dst(%dma_wait3A_118 : memref<128x32xf32, #tpu.memory_space<vmem>>)
      %run_scoped3A_125 = arith.constant 3 : i32
      "tpu.region"() ({
        %run_scoped3A_126 = tpu.sem_alloc : memref<!tpu.dma_semaphore, #tpu.memory_space<semaphore_mem>>
        %dma_start3A_127 = arith.constant 384 : i32
        %dma_start3A_128 = arith.constant 0 : i32
        %dma_start3A_129 = tpu.memref_slice %arg9[%dma_start3A_127, %dma_start3A_128] : memref<512x32xf32, #tpu.memory_space<vmem>> -> memref<128x32xf32, #tpu.memory_space<vmem>>
        %dma_start3A_130 = arith.constant 0 : i32
        %dma_start3A_131 = tpu.memref_slice %arg8[%run_scoped3A_125, %dma_start3A_130] : memref<4x128xi32, #tpu.memory_space<vmem>> -> memref<1x128xi32, #tpu.memory_space<vmem>>
        %dma_start3A_132 = tpu.memref_squeeze %dma_start3A_131 : memref<1x128xi32, #tpu.memory_space<vmem>> -> memref<128xi32, #tpu.memory_space<vmem>>
        %dma_start3A_133 = arith.constant 0 : i32
        %dma_start3A_134 = arith.constant 0 : i32
        %dma_start3A_135 = tpu.memref_slice %arg10[%dma_start3A_133, %dma_start3A_134] : memref<50048x32xf32, #tpu.memory_space<vmem_shared>> -> memref<50048x32xf32, #tpu.memory_space<vmem_shared>>
        tpu.enqueue_indirect_dma source(%dma_start3A_129 : memref<128x32xf32, #tpu.memory_space<vmem>>) target(%dma_start3A_135 : memref<50048x32xf32, #tpu.memory_space<vmem_shared>>) offsets(%dma_start3A_132 : memref<128xi32, #tpu.memory_space<vmem>>) semaphore(%run_scoped3A_126 : memref<!tpu.dma_semaphore, #tpu.memory_space<semaphore_mem>>) {add = true}
        %dma_wait3A_136 = arith.constant 384 : i32
        %dma_wait3A_137 = arith.constant 0 : i32
        %dma_wait3A_138 = tpu.memref_slice %arg9[%dma_wait3A_136, %dma_wait3A_137] : memref<512x32xf32, #tpu.memory_space<vmem>> -> memref<128x32xf32, #tpu.memory_space<vmem>>
        %dma_wait3A_139 = arith.constant 0 : i32
        %dma_wait3A_140 = tpu.memref_slice %arg8[%run_scoped3A_125, %dma_wait3A_139] : memref<4x128xi32, #tpu.memory_space<vmem>> -> memref<1x128xi32, #tpu.memory_space<vmem>>
        %dma_wait3A_141 = tpu.memref_squeeze %dma_wait3A_140 : memref<1x128xi32, #tpu.memory_space<vmem>> -> memref<128xi32, #tpu.memory_space<vmem>>
        %dma_wait3A_142 = arith.constant 0 : i32
        %dma_wait3A_143 = arith.constant 0 : i32
        %dma_wait3A_144 = tpu.memref_slice %arg10[%dma_wait3A_142, %dma_wait3A_143] : memref<50048x32xf32, #tpu.memory_space<vmem_shared>> -> memref<50048x32xf32, #tpu.memory_space<vmem_shared>>
        tpu.wait_indirect_dma semaphore(%run_scoped3A_126 : memref<!tpu.dma_semaphore, #tpu.memory_space<semaphore_mem>>) src(%dma_wait3A_138 : memref<128x32xf32, #tpu.memory_space<vmem>>) dst(%dma_wait3A_144 : memref<50048x32xf32, #tpu.memory_space<vmem_shared>>)
        tpu.yield
      }) : () -> ()
    }
    %scan3A_29 = arith.constant 98 : i32
    %barrier3A_30 = arith.constant 0 : index
    tpu.barrier barrier_id(%barrier3A_30)
    %mul3A_31 = arith.constant 3128 : i32
    %mul3A_32 = arith.muli %arg1, %mul3A_31 : i32
    %mul3A_33 = arith.constant 50048 : i32
    %mul3A_34 = arith.muli %arg0, %mul3A_33 : i32
    %mul3A_35 = arith.constant 3128 : i32
    %mul3A_36 = arith.muli %arg1, %mul3A_35 : i32
    %add3A_37 = arith.addi %mul3A_34, %mul3A_36 : i32
    "tpu.region"() ({
      %run_scoped3A = tpu.sem_alloc : memref<!tpu.dma_semaphore, #tpu.memory_space<semaphore_mem>>
      %dma_start3A = arith.constant 0 : i32
      %dma_start3A_38 = tpu.memref_slice %arg6[%add3A_37, %dma_start3A] : memref<100096x32xf32, #tpu.memory_space<hbm>> -> memref<3128x32xf32, #tpu.memory_space<hbm>>
      %dma_start3A_39 = arith.constant 0 : i32
      %dma_start3A_40 = tpu.memref_slice %arg10[%mul3A_32, %dma_start3A_39] : memref<50048x32xf32, #tpu.memory_space<vmem_shared>> -> memref<3128x32xf32, #tpu.memory_space<vmem_shared>>
      tpu.enqueue_dma source(%dma_start3A_40 : memref<3128x32xf32, #tpu.memory_space<vmem_shared>>) target(%dma_start3A_38 : memref<3128x32xf32, #tpu.memory_space<hbm>>) target_semaphore(%run_scoped3A : memref<!tpu.dma_semaphore, #tpu.memory_space<semaphore_mem>>)
      %dma_wait3A = arith.constant 0 : i32
      %dma_wait3A_41 = tpu.memref_slice %arg6[%add3A_37, %dma_wait3A] : memref<100096x32xf32, #tpu.memory_space<hbm>> -> memref<3128x32xf32, #tpu.memory_space<hbm>>
      %dma_wait3A_42 = arith.constant 0 : i32
      %dma_wait3A_43 = tpu.memref_slice %arg10[%mul3A_32, %dma_wait3A_42] : memref<50048x32xf32, #tpu.memory_space<vmem_shared>> -> memref<3128x32xf32, #tpu.memory_space<vmem_shared>>
      tpu.wait_dma2 semaphore(%run_scoped3A : memref<!tpu.dma_semaphore, #tpu.memory_space<semaphore_mem>>) src(%dma_wait3A_43 : memref<3128x32xf32, #tpu.memory_space<vmem_shared>>) dst(%dma_wait3A_41 : memref<3128x32xf32, #tpu.memory_space<hbm>>)
      tpu.yield
    }) : () -> ()
    return
  }
}

module attributes {stable_mosaic.version = 14 : i64} {
  func.func @_mm_body(%arg0: i32, %arg1: memref<1000x128xf32, #tpu.memory_space<vmem>>, %arg2: memref<128x64xf32, #tpu.memory_space<vmem>>, %arg3: memref<1000x64xf32, #tpu.memory_space<vmem>>) attributes {dimension_semantics = [#tpu.dimension_semantics<arbitrary>], iteration_bounds = array<i64: 100>, scalar_prefetch = 0 : i64, scratch_operands = 0 : i64, tpu.core_type = #tpu.core_type<tc>, window_params = [{transform_indices = @transform_0, window_bounds = array<i64: 1000, 128>}, {pipeline_mode = #tpu.pipeline_mode<synchronous>, transform_indices = @transform_1, window_bounds = array<i64: 128, 64>}, {transform_indices = @transform_2, window_bounds = array<i64: 1000, 64>}]} {
    %get3A = arith.constant 0 : index
    %get3A_0 = arith.constant 0 : index
    %get3A_1 = vector.load %arg1[%get3A, %get3A_0] : memref<1000x128xf32, #tpu.memory_space<vmem>>, vector<1000x128xf32>
    %get3A_2 = arith.constant 0 : index
    %get3A_3 = arith.constant 0 : index
    %get3A_4 = vector.load %arg2[%get3A_2, %get3A_3] : memref<128x64xf32, #tpu.memory_space<vmem>>, vector<128x64xf32>
    %dot_general3A = arith.constant dense<0.000000e+00> : vector<1000x64xf32>
    %dot_general3A_5 = tpu.matmul %get3A_1, %get3A_4, %dot_general3A {dimension_numbers = #tpu.dot_dimension_numbers<[1], [0], [0], [1], [0, 0, 1, 1], [], []>, transpose_lhs_hint = false} : vector<1000x128xf32>, vector<128x64xf32>, vector<1000x64xf32> -> vector<1000x64xf32>
    %swap3A = arith.constant 0 : index
    %swap3A_6 = arith.constant 0 : index
    %swap3A_7 = vector.load %arg3[%swap3A, %swap3A_6] : memref<1000x64xf32, #tpu.memory_space<vmem>>, vector<1000x64xf32>
    tpu.vector_store %arg3[%swap3A, %swap3A_6], %dot_general3A_5 {strides = array<i32>} : memref<1000x64xf32, #tpu.memory_space<vmem>>, vector<1000x64xf32>,
    return
  }
  func.func @transform_0(%arg0: i32) -> (i32, i32) {
    %c0_i32 = arith.constant 0 : i32
    %c0_i32_0 = arith.constant 0 : i32
    return %arg0, %c0_i32 : i32, i32
  }
  func.func @transform_1(%arg0: i32) -> (i32, i32) {
    %c0_i32 = arith.constant 0 : i32
    %c0_i32_0 = arith.constant 0 : i32
    %c0_i32_1 = arith.constant 0 : i32
    return %c0_i32, %c0_i32_0 : i32, i32
  }
  func.func @transform_2(%arg0: i32) -> (i32, i32) {
    %c0_i32 = arith.constant 0 : i32
    %c0_i32_0 = arith.constant 0 : i32
    return %arg0, %c0_i32 : i32, i32
  }
}

module attributes {stable_mosaic.version = 14 : i64} {
  func.func @_scale_body(%arg0: i32, %arg1: memref<1000x1xf32, #tpu.memory_space<vmem>>, %arg2: memref<1000x1xf32, #tpu.memory_space<vmem>>, %arg3: memref<1000x64xf32, #tpu.memory_space<vmem>>, %arg4: memref<1000x1xf32, #tpu.memory_space<vmem>>, %arg5: memref<1000x64xf32, #tpu.memory_space<vmem>>) attributes {dimension_semantics = [#tpu.dimension_semantics<arbitrary>], iteration_bounds = array<i64: 50>, scalar_prefetch = 0 : i64, scratch_operands = 0 : i64, tpu.core_type = #tpu.core_type<tc>, window_params = [{transform_indices = @transform_0, window_bounds = array<i64: 1000, 1>}, {transform_indices = @transform_1, window_bounds = array<i64: 1000, 1>}, {transform_indices = @transform_2, window_bounds = array<i64: 1000, 64>}, {transform_indices = @transform_3, window_bounds = array<i64: 1000, 1>}, {transform_indices = @transform_4, window_bounds = array<i64: 1000, 64>}]} {
    %get3A = arith.constant 0 : index
    %get3A_0 = arith.constant 0 : index
    %get3A_1 = vector.load %arg1[%get3A, %get3A_0] : memref<1000x1xf32, #tpu.memory_space<vmem>>, vector<1000x1xf32>
    %get3A_2 = arith.constant 0 : index
    %get3A_3 = arith.constant 0 : index
    %get3A_4 = vector.load %arg2[%get3A_2, %get3A_3] : memref<1000x1xf32, #tpu.memory_space<vmem>>, vector<1000x1xf32>
    %add3A = arith.addf %get3A_1, %get3A_4 : vector<1000x1xf32>
    %add3A_5 = arith.constant 1.000000e+00 : f32
    %add3A_6 = vector.broadcast %add3A_5 : f32 to vector<1000x1xf32>
    %add3A_7 = arith.addf %add3A, %add3A_6 : vector<1000x1xf32>
    %rsqrt3A = math.rsqrt %add3A_7 : vector<1000x1xf32>
    %swap3A = arith.constant 0 : index
    %swap3A_8 = arith.constant 0 : index
    %swap3A_9 = vector.load %arg4[%swap3A, %swap3A_8] : memref<1000x1xf32, #tpu.memory_space<vmem>>, vector<1000x1xf32>
    tpu.vector_store %arg4[%swap3A, %swap3A_8], %rsqrt3A {strides = array<i32>} : memref<1000x1xf32, #tpu.memory_space<vmem>>, vector<1000x1xf32>,
    %get3A_10 = arith.constant 0 : index
    %get3A_11 = arith.constant 0 : index
    %get3A_12 = vector.load %arg3[%get3A_10, %get3A_11] : memref<1000x64xf32, #tpu.memory_space<vmem>>, vector<1000x64xf32>
    %mul3A = vector.broadcast %rsqrt3A : vector<1000x1xf32> to vector<1000x64xf32>
    %mul3A_13 = arith.mulf %get3A_12, %mul3A : vector<1000x64xf32>
    %swap3A_14 = arith.constant 0 : index
    %swap3A_15 = arith.constant 0 : index
    %swap3A_16 = vector.load %arg5[%swap3A_14, %swap3A_15] : memref<1000x64xf32, #tpu.memory_space<vmem>>, vector<1000x64xf32>
    tpu.vector_store %arg5[%swap3A_14, %swap3A_15], %mul3A_13 {strides = array<i32>} : memref<1000x64xf32, #tpu.memory_space<vmem>>, vector<1000x64xf32>,
    return
  }
  func.func @transform_0(%arg0: i32) -> (i32, i32) {
    %c0_i32 = arith.constant 0 : i32
    %c0_i32_0 = arith.constant 0 : i32
    return %arg0, %c0_i32 : i32, i32
  }
  func.func @transform_1(%arg0: i32) -> (i32, i32) {
    %c0_i32 = arith.constant 0 : i32
    %c0_i32_0 = arith.constant 0 : i32
    return %arg0, %c0_i32 : i32, i32
  }
  func.func @transform_2(%arg0: i32) -> (i32, i32) {
    %c0_i32 = arith.constant 0 : i32
    %c0_i32_0 = arith.constant 0 : i32
    return %arg0, %c0_i32 : i32, i32
  }
  func.func @transform_3(%arg0: i32) -> (i32, i32) {
    %c0_i32 = arith.constant 0 : i32
    %c0_i32_0 = arith.constant 0 : i32
    return %arg0, %c0_i32 : i32, i32
  }
  func.func @transform_4(%arg0: i32) -> (i32, i32) {
    %c0_i32 = arith.constant 0 : i32
    %c0_i32_0 = arith.constant 0 : i32
    return %arg0, %c0_i32 : i32, i32
  }
}

module attributes {stable_mosaic.version = 14 : i64} {
  func.func @_layer2_body(%arg0: i32, %arg1: memref<1000x64xf32, #tpu.memory_space<vmem>>, %arg2: memref<1000x64xf32, #tpu.memory_space<vmem>>, %arg3: memref<1000x1xf32, #tpu.memory_space<vmem>>, %arg4: memref<1x64xf32, #tpu.memory_space<vmem>>, %arg5: memref<64x64xf32, #tpu.memory_space<vmem>>, %arg6: memref<1000x64xf32, #tpu.memory_space<vmem>>) attributes {dimension_semantics = [#tpu.dimension_semantics<arbitrary>], iteration_bounds = array<i64: 50>, scalar_prefetch = 0 : i64, scratch_operands = 0 : i64, tpu.core_type = #tpu.core_type<tc>, window_params = [{transform_indices = @transform_0, window_bounds = array<i64: 1000, 64>}, {transform_indices = @transform_1, window_bounds = array<i64: 1000, 64>}, {transform_indices = @transform_2, window_bounds = array<i64: 1000, 1>}, {pipeline_mode = #tpu.pipeline_mode<synchronous>, transform_indices = @transform_3, window_bounds = array<i64: 1, 64>}, {pipeline_mode = #tpu.pipeline_mode<synchronous>, transform_indices = @transform_4, window_bounds = array<i64: 64, 64>}, {transform_indices = @transform_5, window_bounds = array<i64: 1000, 64>}]} {
    %get3A = arith.constant 0 : index
    %get3A_0 = arith.constant 0 : index
    %get3A_1 = vector.load %arg3[%get3A, %get3A_0] : memref<1000x1xf32, #tpu.memory_space<vmem>>, vector<1000x1xf32>
    %get3A_2 = arith.constant 0 : index
    %get3A_3 = arith.constant 0 : index
    %get3A_4 = vector.load %arg1[%get3A_2, %get3A_3] : memref<1000x64xf32, #tpu.memory_space<vmem>>, vector<1000x64xf32>
    %get3A_5 = arith.constant 0 : index
    %get3A_6 = arith.constant 0 : index
    %get3A_7 = vector.load %arg2[%get3A_5, %get3A_6] : memref<1000x64xf32, #tpu.memory_space<vmem>>, vector<1000x64xf32>
    %add3A = arith.addf %get3A_4, %get3A_7 : vector<1000x64xf32>
    %mul3A = vector.broadcast %get3A_1 : vector<1000x1xf32> to vector<1000x64xf32>
    %mul3A_8 = arith.mulf %mul3A, %add3A : vector<1000x64xf32>
    %get3A_9 = arith.constant 0 : index
    %get3A_10 = arith.constant 0 : index
    %get3A_11 = vector.load %arg4[%get3A_9, %get3A_10] : memref<1x64xf32, #tpu.memory_space<vmem>>, vector<1x64xf32>
    %add3A_12 = vector.broadcast %get3A_11 : vector<1x64xf32> to vector<1000x64xf32>
    %add3A_13 = arith.addf %mul3A_8, %add3A_12 : vector<1000x64xf32>
    %max3A = arith.constant 0.000000e+00 : f32
    %max3A_14 = vector.broadcast %max3A : f32 to vector<1000x64xf32>
    %max3A_15 = arith.maximumf %add3A_13, %max3A_14 : vector<1000x64xf32>
    %get3A_16 = arith.constant 0 : index
    %get3A_17 = arith.constant 0 : index
    %get3A_18 = vector.load %arg5[%get3A_16, %get3A_17] : memref<64x64xf32, #tpu.memory_space<vmem>>, vector<64x64xf32>
    %dot_general3A = arith.constant dense<0.000000e+00> : vector<1000x64xf32>
    %dot_general3A_19 = tpu.matmul %max3A_15, %get3A_18, %dot_general3A {dimension_numbers = #tpu.dot_dimension_numbers<[1], [0], [0], [1], [0, 0, 1, 1], [], []>, transpose_lhs_hint = false} : vector<1000x64xf32>, vector<64x64xf32>, vector<1000x64xf32> -> vector<1000x64xf32>
    %get3A_20 = arith.constant 0 : index
    %get3A_21 = arith.constant 0 : index
    %get3A_22 = vector.load %arg3[%get3A_20, %get3A_21] : memref<1000x1xf32, #tpu.memory_space<vmem>>, vector<1000x1xf32>
    %mul3A_23 = vector.broadcast %get3A_22 : vector<1000x1xf32> to vector<1000x64xf32>
    %mul3A_24 = arith.mulf %dot_general3A_19, %mul3A_23 : vector<1000x64xf32>
    %swap3A = arith.constant 0 : index
    %swap3A_25 = arith.constant 0 : index
    %swap3A_26 = vector.load %arg6[%swap3A, %swap3A_25] : memref<1000x64xf32, #tpu.memory_space<vmem>>, vector<1000x64xf32>
    tpu.vector_store %arg6[%swap3A, %swap3A_25], %mul3A_24 {strides = array<i32>} : memref<1000x64xf32, #tpu.memory_space<vmem>>, vector<1000x64xf32>,
    return
  }
  func.func @transform_0(%arg0: i32) -> (i32, i32) {
    %c0_i32 = arith.constant 0 : i32
    %c0_i32_0 = arith.constant 0 : i32
    return %arg0, %c0_i32 : i32, i32
  }
  func.func @transform_1(%arg0: i32) -> (i32, i32) {
    %c0_i32 = arith.constant 0 : i32
    %c0_i32_0 = arith.constant 0 : i32
    return %arg0, %c0_i32 : i32, i32
  }
  func.func @transform_2(%arg0: i32) -> (i32, i32) {
    %c0_i32 = arith.constant 0 : i32
    %c0_i32_0 = arith.constant 0 : i32
    return %arg0, %c0_i32 : i32, i32
  }
  func.func @transform_3(%arg0: i32) -> (i32, i32) {
    %c0_i32 = arith.constant 0 : i32
    %c0_i32_0 = arith.constant 0 : i32
    %c0_i32_1 = arith.constant 0 : i32
    return %c0_i32, %c0_i32_0 : i32, i32
  }
  func.func @transform_4(%arg0: i32) -> (i32, i32) {
    %c0_i32 = arith.constant 0 : i32
    %c0_i32_0 = arith.constant 0 : i32
    %c0_i32_1 = arith.constant 0 : i32
    return %c0_i32, %c0_i32_0 : i32, i32
  }
  func.func @transform_5(%arg0: i32) -> (i32, i32) {
    %c0_i32 = arith.constant 0 : i32
    %c0_i32_0 = arith.constant 0 : i32
    return %arg0, %c0_i32 : i32, i32
  }
}

module attributes {stable_mosaic.version = 14 : i64} {
  func.func @_gate_body(%arg0: i32, %arg1: memref<1000x64xf32, #tpu.memory_space<vmem>>, %arg2: memref<1000x64xf32, #tpu.memory_space<vmem>>, %arg3: memref<1000x1xf32, #tpu.memory_space<vmem>>, %arg4: memref<1x64xf32, #tpu.memory_space<vmem>>, %arg5: memref<64x1xf32, #tpu.memory_space<vmem>>, %arg6: memref<1x1xf32, #tpu.memory_space<vmem>>, %arg7: memref<1000x1xi32, #tpu.memory_space<vmem>>, %arg8: memref<1000x64xf32, #tpu.memory_space<vmem>>, %arg9: memref<1000x1xf32, #tpu.memory_space<vmem>>, %arg10: memref<1x64xf32, #tpu.memory_space<vmem>>) attributes {dimension_semantics = [#tpu.dimension_semantics<arbitrary>], iteration_bounds = array<i64: 50>, scalar_prefetch = 0 : i64, scratch_operands = 0 : i64, tpu.core_type = #tpu.core_type<tc>, window_params = [{transform_indices = @transform_0, window_bounds = array<i64: 1000, 64>}, {transform_indices = @transform_1, window_bounds = array<i64: 1000, 64>}, {transform_indices = @transform_2, window_bounds = array<i64: 1000, 1>}, {pipeline_mode = #tpu.pipeline_mode<synchronous>, transform_indices = @transform_3, window_bounds = array<i64: 1, 64>}, {pipeline_mode = #tpu.pipeline_mode<synchronous>, transform_indices = @transform_4, window_bounds = array<i64: 64, 1>}, {pipeline_mode = #tpu.pipeline_mode<synchronous>, transform_indices = @transform_5, window_bounds = array<i64: 1, 1>}, {transform_indices = @transform_6, window_bounds = array<i64: 1000, 1>}, {transform_indices = @transform_7, window_bounds = array<i64: 1000, 64>}, {transform_indices = @transform_8, window_bounds = array<i64: 1000, 1>}, {pipeline_mode = #tpu.pipeline_mode<synchronous>, transform_indices = @transform_9, window_bounds = array<i64: 1, 64>}]} {
    %get3A = arith.constant 0 : index
    %get3A_0 = arith.constant 0 : index
    %get3A_1 = vector.load %arg3[%get3A, %get3A_0] : memref<1000x1xf32, #tpu.memory_space<vmem>>, vector<1000x1xf32>
    %get3A_2 = arith.constant 0 : index
    %get3A_3 = arith.constant 0 : index
    %get3A_4 = vector.load %arg1[%get3A_2, %get3A_3] : memref<1000x64xf32, #tpu.memory_space<vmem>>, vector<1000x64xf32>
    %get3A_5 = arith.constant 0 : index
    %get3A_6 = arith.constant 0 : index
    %get3A_7 = vector.load %arg2[%get3A_5, %get3A_6] : memref<1000x64xf32, #tpu.memory_space<vmem>>, vector<1000x64xf32>
    %add3A = arith.addf %get3A_4, %get3A_7 : vector<1000x64xf32>
    %mul3A = vector.broadcast %get3A_1 : vector<1000x1xf32> to vector<1000x64xf32>
    %mul3A_8 = arith.mulf %mul3A, %add3A : vector<1000x64xf32>
    %get3A_9 = arith.constant 0 : index
    %get3A_10 = arith.constant 0 : index
    %get3A_11 = vector.load %arg4[%get3A_9, %get3A_10] : memref<1x64xf32, #tpu.memory_space<vmem>>, vector<1x64xf32>
    %add3A_12 = vector.broadcast %get3A_11 : vector<1x64xf32> to vector<1000x64xf32>
    %add3A_13 = arith.addf %mul3A_8, %add3A_12 : vector<1000x64xf32>
    %max3A = arith.constant 0.000000e+00 : f32
    %max3A_14 = vector.broadcast %max3A : f32 to vector<1000x64xf32>
    %max3A_15 = arith.maximumf %add3A_13, %max3A_14 : vector<1000x64xf32>
    %get3A_16 = arith.constant 0 : index
    %get3A_17 = arith.constant 0 : index
    %get3A_18 = vector.load %arg5[%get3A_16, %get3A_17] : memref<64x1xf32, #tpu.memory_space<vmem>>, vector<64x1xf32>
    %dot_general3A = arith.constant dense<0.000000e+00> : vector<1000x1xf32>
    %dot_general3A_19 = tpu.matmul %max3A_15, %get3A_18, %dot_general3A {dimension_numbers = #tpu.dot_dimension_numbers<[1], [0], [0], [1], [0, 0, 1, 1], [], []>, transpose_lhs_hint = false} : vector<1000x64xf32>, vector<64x1xf32>, vector<1000x1xf32> -> vector<1000x1xf32>
    %get3A_20 = arith.constant 0 : index
    %get3A_21 = arith.constant 0 : index
    %get3A_22 = vector.load %arg6[%get3A_20, %get3A_21] : memref<1x1xf32, #tpu.memory_space<vmem>>, vector<1x1xf32>
    %add3A_23 = vector.broadcast %get3A_22 : vector<1x1xf32> to vector<1000x1xf32>
    %add3A_24 = arith.addf %dot_general3A_19, %add3A_23 : vector<1000x1xf32>
    %iota3A = tpu.iota {dimensions = array<i32: 1>} : vector<1000x64xi32>
    %get3A_25 = arith.constant 0 : index
    %get3A_26 = arith.constant 0 : index
    %get3A_27 = vector.load %arg7[%get3A_25, %get3A_26] : memref<1000x1xi32, #tpu.memory_space<vmem>>, vector<1000x1xi32>
    %eq3A = vector.broadcast %get3A_27 : vector<1000x1xi32> to vector<1000x64xi32>
    %eq3A_28 = arith.cmpi eq, %iota3A, %eq3A : vector<1000x64xi32>
    %jit3A = arith.constant 0xFF800000 : f32
    %broadcast_in_dim3A = vector.shape_cast %add3A_24 : vector<1000x1xf32> to vector<1000x1xf32>
    %broadcast_in_dim3A_29 = vector.broadcast %broadcast_in_dim3A : vector<1000x1xf32> to vector<1000x64xf32>
    %broadcast_in_dim3A_30 = vector.broadcast %jit3A : f32 to vector<1000x64xf32>
    %select_n3A = arith.select %eq3A_28, %broadcast_in_dim3A_29, %broadcast_in_dim3A_30 : vector<1000x64xi1>, vector<1000x64xf32>
    %reduce_max3A = arith.constant dense<0xFF800000> : vector<64xf32>
    %reduce_max3A_31 = vector.multi_reduction <maximumf>, %select_n3A, %reduce_max3A [0] : vector<1000x64xf32> to vector<64xf32>
    %broadcast_in_dim3A_32 = vector.shape_cast %reduce_max3A_31 : vector<64xf32> to vector<1x64xf32>
    %eq3A_33 = arith.constant 0 : i32
    %eq3A_34 = arith.cmpi eq, %arg0, %eq3A_33 : i32
    %convert_element_type3A = arith.extui %eq3A_34 : i1 to i32
    %cond3A = arith.constant 0 : i32
    %cond3A_35 = arith.cmpi ne, %convert_element_type3A, %cond3A : i32
    scf.if %cond3A_35 {
      %broadcast_in_dim3A_48 = arith.constant 0xFF800000 : f32
      %broadcast_in_dim3A_49 = vector.broadcast %broadcast_in_dim3A_48 : f32 to vector<1x64xf32>
      %swap3A_50 = arith.constant 0 : index
      %swap3A_51 = arith.constant 0 : index
      %swap3A_52 = vector.load %arg10[%swap3A_50, %swap3A_51] : memref<1x64xf32, #tpu.memory_space<vmem>>, vector<1x64xf32>
      tpu.vector_store %arg10[%swap3A_50, %swap3A_51], %broadcast_in_dim3A_49 {strides = array<i32>} : memref<1x64xf32, #tpu.memory_space<vmem>>, vector<1x64xf32>,
    } else {
    }
    %get3A_36 = arith.constant 0 : index
    %get3A_37 = arith.constant 0 : index
    %get3A_38 = vector.load %arg10[%get3A_36, %get3A_37] : memref<1x64xf32, #tpu.memory_space<vmem>>, vector<1x64xf32>
    %max3A_39 = arith.maximumf %get3A_38, %broadcast_in_dim3A_32 : vector<1x64xf32>
    %swap3A = arith.constant 0 : index
    %swap3A_40 = arith.constant 0 : index
    %swap3A_41 = vector.load %arg10[%swap3A, %swap3A_40] : memref<1x64xf32, #tpu.memory_space<vmem>>, vector<1x64xf32>
    tpu.vector_store %arg10[%swap3A, %swap3A_40], %max3A_39 {strides = array<i32>} : memref<1x64xf32, #tpu.memory_space<vmem>>, vector<1x64xf32>,
    %swap3A_42 = arith.constant 0 : index
    %swap3A_43 = arith.constant 0 : index
    %swap3A_44 = vector.load %arg8[%swap3A_42, %swap3A_43] : memref<1000x64xf32, #tpu.memory_space<vmem>>, vector<1000x64xf32>
    tpu.vector_store %arg8[%swap3A_42, %swap3A_43], %max3A_15 {strides = array<i32>} : memref<1000x64xf32, #tpu.memory_space<vmem>>, vector<1000x64xf32>,
    %swap3A_45 = arith.constant 0 : index
    %swap3A_46 = arith.constant 0 : index
    %swap3A_47 = vector.load %arg9[%swap3A_45, %swap3A_46] : memref<1000x1xf32, #tpu.memory_space<vmem>>, vector<1000x1xf32>
    tpu.vector_store %arg9[%swap3A_45, %swap3A_46], %add3A_24 {strides = array<i32>} : memref<1000x1xf32, #tpu.memory_space<vmem>>, vector<1000x1xf32>,
    return
  }
  func.func @transform_0(%arg0: i32) -> (i32, i32) {
    %c0_i32 = arith.constant 0 : i32
    %c0_i32_0 = arith.constant 0 : i32
    return %arg0, %c0_i32 : i32, i32
  }
  func.func @transform_1(%arg0: i32) -> (i32, i32) {
    %c0_i32 = arith.constant 0 : i32
    %c0_i32_0 = arith.constant 0 : i32
    return %arg0, %c0_i32 : i32, i32
  }
  func.func @transform_2(%arg0: i32) -> (i32, i32) {
    %c0_i32 = arith.constant 0 : i32
    %c0_i32_0 = arith.constant 0 : i32
    return %arg0, %c0_i32 : i32, i32
  }
  func.func @transform_3(%arg0: i32) -> (i32, i32) {
    %c0_i32 = arith.constant 0 : i32
    %c0_i32_0 = arith.constant 0 : i32
    %c0_i32_1 = arith.constant 0 : i32
    return %c0_i32, %c0_i32_0 : i32, i32
  }
  func.func @transform_4(%arg0: i32) -> (i32, i32) {
    %c0_i32 = arith.constant 0 : i32
    %c0_i32_0 = arith.constant 0 : i32
    %c0_i32_1 = arith.constant 0 : i32
    return %c0_i32, %c0_i32_0 : i32, i32
  }
  func.func @transform_5(%arg0: i32) -> (i32, i32) {
    %c0_i32 = arith.constant 0 : i32
    %c0_i32_0 = arith.constant 0 : i32
    %c0_i32_1 = arith.constant 0 : i32
    return %c0_i32, %c0_i32_0 : i32, i32
  }
  func.func @transform_6(%arg0: i32) -> (i32, i32) {
    %c0_i32 = arith.constant 0 : i32
    %c0_i32_0 = arith.constant 0 : i32
    return %arg0, %c0_i32 : i32, i32
  }
  func.func @transform_7(%arg0: i32) -> (i32, i32) {
    %c0_i32 = arith.constant 0 : i32
    %c0_i32_0 = arith.constant 0 : i32
    return %arg0, %c0_i32 : i32, i32
  }
  func.func @transform_8(%arg0: i32) -> (i32, i32) {
    %c0_i32 = arith.constant 0 : i32
    %c0_i32_0 = arith.constant 0 : i32
    return %arg0, %c0_i32 : i32, i32
  }
  func.func @transform_9(%arg0: i32) -> (i32, i32) {
    %c0_i32 = arith.constant 0 : i32
    %c0_i32_0 = arith.constant 0 : i32
    %c0_i32_1 = arith.constant 0 : i32
    return %c0_i32, %c0_i32_0 : i32, i32
  }
}

module attributes {stable_mosaic.version = 14 : i64} {
  func.func @_pool_body(%arg0: i32, %arg1: memref<1000x64xf32, #tpu.memory_space<vmem>>, %arg2: memref<1000x1xf32, #tpu.memory_space<vmem>>, %arg3: memref<1000x1xi32, #tpu.memory_space<vmem>>, %arg4: memref<1x64xf32, #tpu.memory_space<vmem>>, %arg5: memref<64x1xf32, #tpu.memory_space<vmem>>, %arg6: memref<1x1xf32, #tpu.memory_space<vmem>>, %arg7: memref<64x1xf32, #tpu.memory_space<vmem>>, %arg8: memref<64x64xf32, #tpu.memory_space<vmem>>, %arg9: memref<64x1xf32, #tpu.memory_space<vmem>>) attributes {dimension_semantics = [#tpu.dimension_semantics<arbitrary>], iteration_bounds = array<i64: 50>, scalar_prefetch = 0 : i64, scratch_operands = 2 : i64, tpu.core_type = #tpu.core_type<tc>, window_params = [{transform_indices = @transform_0, window_bounds = array<i64: 1000, 64>}, {transform_indices = @transform_1, window_bounds = array<i64: 1000, 1>}, {transform_indices = @transform_2, window_bounds = array<i64: 1000, 1>}, {pipeline_mode = #tpu.pipeline_mode<synchronous>, transform_indices = @transform_3, window_bounds = array<i64: 1, 64>}, {pipeline_mode = #tpu.pipeline_mode<synchronous>, transform_indices = @transform_4, window_bounds = array<i64: 64, 1>}, {pipeline_mode = #tpu.pipeline_mode<synchronous>, transform_indices = @transform_5, window_bounds = array<i64: 1, 1>}, {pipeline_mode = #tpu.pipeline_mode<synchronous>, transform_indices = @transform_6, window_bounds = array<i64: 64, 1>}]} {
    %eq3A = arith.constant 0 : i32
    %eq3A_0 = arith.cmpi eq, %arg0, %eq3A : i32
    %convert_element_type3A = arith.extui %eq3A_0 : i1 to i32
    %cond3A = arith.constant 0 : i32
    %cond3A_1 = arith.cmpi ne, %convert_element_type3A, %cond3A : i32
    scf.if %cond3A_1 {
      %broadcast_in_dim3A_42 = arith.constant 0.000000e+00 : f32
      %broadcast_in_dim3A_43 = vector.broadcast %broadcast_in_dim3A_42 : f32 to vector<64x64xf32>
      %swap3A_44 = arith.constant 0 : index
      %swap3A_45 = arith.constant 0 : index
      %swap3A_46 = vector.load %arg8[%swap3A_44, %swap3A_45] : memref<64x64xf32, #tpu.memory_space<vmem>>, vector<64x64xf32>
      tpu.vector_store %arg8[%swap3A_44, %swap3A_45], %broadcast_in_dim3A_43 {strides = array<i32>} : memref<64x64xf32, #tpu.memory_space<vmem>>, vector<64x64xf32>,
      %broadcast_in_dim3A_47 = arith.constant 0.000000e+00 : f32
      %broadcast_in_dim3A_48 = vector.broadcast %broadcast_in_dim3A_47 : f32 to vector<64x1xf32>
      %swap3A_49 = arith.constant 0 : index
      %swap3A_50 = arith.constant 0 : index
      %swap3A_51 = vector.load %arg9[%swap3A_49, %swap3A_50] : memref<64x1xf32, #tpu.memory_space<vmem>>, vector<64x1xf32>
      tpu.vector_store %arg9[%swap3A_49, %swap3A_50], %broadcast_in_dim3A_48 {strides = array<i32>} : memref<64x1xf32, #tpu.memory_space<vmem>>, vector<64x1xf32>,
    } else {
    }
    %iota3A = tpu.iota {dimensions = array<i32: 1>} : vector<1000x64xi32>
    %get3A = arith.constant 0 : index
    %get3A_2 = arith.constant 0 : index
    %get3A_3 = vector.load %arg3[%get3A, %get3A_2] : memref<1000x1xi32, #tpu.memory_space<vmem>>, vector<1000x1xi32>
    %eq3A_4 = vector.broadcast %get3A_3 : vector<1000x1xi32> to vector<1000x64xi32>
    %eq3A_5 = arith.cmpi eq, %iota3A, %eq3A_4 : vector<1000x64xi32>
    %convert_element_type3A_6 = arith.extui %eq3A_5 : vector<1000x64xi1> to vector<1000x64xi32>
    %convert_element_type3A_7 = arith.sitofp %convert_element_type3A_6 : vector<1000x64xi32> to vector<1000x64xf32>
    %get3A_8 = arith.constant 0 : index
    %get3A_9 = arith.constant 0 : index
    %get3A_10 = vector.load %arg4[%get3A_8, %get3A_9] : memref<1x64xf32, #tpu.memory_space<vmem>>, vector<1x64xf32>
    %is_finite3A = tpu.weird %get3A_10 : vector<1x64xf32> -> vector<1x64xi1>
    %is_finite3A_11 = arith.constant dense<true> : vector<1x64xi1>
    %is_finite3A_12 = arith.xori %is_finite3A, %is_finite3A_11 : vector<1x64xi1>
    %jit3A = arith.constant 0.000000e+00 : f32
    %broadcast_in_dim3A = vector.broadcast %jit3A : f32 to vector<1x64xf32>
    %select_n3A = arith.select %is_finite3A_12, %get3A_10, %broadcast_in_dim3A : vector<1x64xi1>, vector<1x64xf32>
    %dot_general3A = arith.constant dense<0.000000e+00> : vector<1000x1xf32>
    %dot_general3A_13 = tpu.matmul %convert_element_type3A_7, %select_n3A, %dot_general3A {dimension_numbers = #tpu.dot_dimension_numbers<[1], [1], [0], [0], [0, 0, 1, 0], [], []>, transpose_lhs_hint = false} : vector<1000x64xf32>, vector<1x64xf32>, vector<1000x1xf32> -> vector<1000x1xf32>
    %get3A_14 = arith.constant 0 : index
    %get3A_15 = arith.constant 0 : index
    %get3A_16 = vector.load %arg2[%get3A_14, %get3A_15] : memref<1000x1xf32, #tpu.memory_space<vmem>>, vector<1000x1xf32>
    %sub3A = arith.subf %get3A_16, %dot_general3A_13 : vector<1000x1xf32>
    %exp3A = math.exp %sub3A : vector<1000x1xf32>
    %get3A_17 = arith.constant 0 : index
    %get3A_18 = arith.constant 0 : index
    %get3A_19 = vector.load %arg9[%get3A_17, %get3A_18] : memref<64x1xf32, #tpu.memory_space<vmem>>, vector<64x1xf32>
    %dot_general3A_20 = arith.constant dense<0.000000e+00> : vector<64x1xf32>
    %dot_general3A_21 = tpu.matmul %convert_element_type3A_7, %exp3A, %dot_general3A_20 {dimension_numbers = #tpu.dot_dimension_numbers<[0], [0], [1], [1], [0, 1, 1, 1], [], []>, transpose_lhs_hint = false} : vector<1000x64xf32>, vector<1000x1xf32>, vector<64x1xf32> -> vector<64x1xf32>
    %add3A = arith.addf %get3A_19, %dot_general3A_21 : vector<64x1xf32>
    %swap3A = arith.constant 0 : index
    %swap3A_22 = arith.constant 0 : index
    %swap3A_23 = vector.load %arg9[%swap3A, %swap3A_22] : memref<64x1xf32, #tpu.memory_space<vmem>>, vector<64x1xf32>
    tpu.vector_store %arg9[%swap3A, %swap3A_22], %add3A {strides = array<i32>} : memref<64x1xf32, #tpu.memory_space<vmem>>, vector<64x1xf32>,
    %get3A_24 = arith.constant 0 : index
    %get3A_25 = arith.constant 0 : index
    %get3A_26 = vector.load %arg8[%get3A_24, %get3A_25] : memref<64x64xf32, #tpu.memory_space<vmem>>, vector<64x64xf32>
    %get3A_27 = arith.constant 0 : index
    %get3A_28 = arith.constant 0 : index
    %get3A_29 = vector.load %arg1[%get3A_27, %get3A_28] : memref<1000x64xf32, #tpu.memory_space<vmem>>, vector<1000x64xf32>
    %mul3A = vector.broadcast %exp3A : vector<1000x1xf32> to vector<1000x64xf32>
    %mul3A_30 = arith.mulf %mul3A, %get3A_29 : vector<1000x64xf32>
    %dot_general3A_31 = arith.constant dense<0.000000e+00> : vector<64x64xf32>
    %dot_general3A_32 = tpu.matmul %convert_element_type3A_7, %mul3A_30, %dot_general3A_31 {dimension_numbers = #tpu.dot_dimension_numbers<[0], [0], [1], [1], [0, 1, 1, 1], [], []>, transpose_lhs_hint = false} : vector<1000x64xf32>, vector<1000x64xf32>, vector<64x64xf32> -> vector<64x64xf32>
    %add3A_33 = arith.addf %get3A_26, %dot_general3A_32 : vector<64x64xf32>
    %swap3A_34 = arith.constant 0 : index
    %swap3A_35 = arith.constant 0 : index
    %swap3A_36 = vector.load %arg8[%swap3A_34, %swap3A_35] : memref<64x64xf32, #tpu.memory_space<vmem>>, vector<64x64xf32>
    tpu.vector_store %arg8[%swap3A_34, %swap3A_35], %add3A_33 {strides = array<i32>} : memref<64x64xf32, #tpu.memory_space<vmem>>, vector<64x64xf32>,
    %eq3A_37 = arith.constant 49 : i32
    %eq3A_38 = arith.cmpi eq, %arg0, %eq3A_37 : i32
    %convert_element_type3A_39 = arith.extui %eq3A_38 : i1 to i32
    %cond3A_40 = arith.constant 0 : i32
    %cond3A_41 = arith.cmpi ne, %convert_element_type3A_39, %cond3A_40 : i32
    scf.if %cond3A_41 {
      %get3A_42 = arith.constant 0 : index
      %get3A_43 = arith.constant 0 : index
      %get3A_44 = vector.load %arg8[%get3A_42, %get3A_43] : memref<64x64xf32, #tpu.memory_space<vmem>>, vector<64x64xf32>
      %get3A_45 = arith.constant 0 : index
      %get3A_46 = arith.constant 0 : index
      %get3A_47 = vector.load %arg5[%get3A_45, %get3A_46] : memref<64x1xf32, #tpu.memory_space<vmem>>, vector<64x1xf32>
      %dot_general3A_48 = arith.constant dense<0.000000e+00> : vector<64x1xf32>
      %dot_general3A_49 = tpu.matmul %get3A_44, %get3A_47, %dot_general3A_48 {dimension_numbers = #tpu.dot_dimension_numbers<[1], [0], [0], [1], [0, 0, 1, 1], [], []>, transpose_lhs_hint = false} : vector<64x64xf32>, vector<64x1xf32>, vector<64x1xf32> -> vector<64x1xf32>
      %get3A_50 = arith.constant 0 : index
      %get3A_51 = arith.constant 0 : index
      %get3A_52 = vector.load %arg9[%get3A_50, %get3A_51] : memref<64x1xf32, #tpu.memory_space<vmem>>, vector<64x1xf32>
      %max3A = arith.constant 1.000000e-16 : f32
      %max3A_53 = vector.broadcast %max3A : f32 to vector<64x1xf32>
      %max3A_54 = arith.maximumf %get3A_52, %max3A_53 : vector<64x1xf32>
      %div3A = arith.divf %dot_general3A_49, %max3A_54 : vector<64x1xf32>
      %get3A_55 = arith.constant 0 : index
      %get3A_56 = arith.constant 0 : index
      %get3A_57 = vector.load %arg6[%get3A_55, %get3A_56] : memref<1x1xf32, #tpu.memory_space<vmem>>, vector<1x1xf32>
      %add3A_58 = vector.broadcast %get3A_57 : vector<1x1xf32> to vector<64x1xf32>
      %add3A_59 = arith.addf %div3A, %add3A_58 : vector<64x1xf32>
      %swap3A_60 = arith.constant 0 : index
      %swap3A_61 = arith.constant 0 : index
      %swap3A_62 = vector.load %arg7[%swap3A_60, %swap3A_61] : memref<64x1xf32, #tpu.memory_space<vmem>>, vector<64x1xf32>
      tpu.vector_store %arg7[%swap3A_60, %swap3A_61], %add3A_59 {strides = array<i32>} : memref<64x1xf32, #tpu.memory_space<vmem>>, vector<64x1xf32>,
    } else {
    }
    return
  }
  func.func @transform_0(%arg0: i32) -> (i32, i32) {
    %c0_i32 = arith.constant 0 : i32
    %c0_i32_0 = arith.constant 0 : i32
    return %arg0, %c0_i32 : i32, i32
  }
  func.func @transform_1(%arg0: i32) -> (i32, i32) {
    %c0_i32 = arith.constant 0 : i32
    %c0_i32_0 = arith.constant 0 : i32
    return %arg0, %c0_i32 : i32, i32
  }
  func.func @transform_2(%arg0: i32) -> (i32, i32) {
    %c0_i32 = arith.constant 0 : i32
    %c0_i32_0 = arith.constant 0 : i32
    return %arg0, %c0_i32 : i32, i32
  }
  func.func @transform_3(%arg0: i32) -> (i32, i32) {
    %c0_i32 = arith.constant 0 : i32
    %c0_i32_0 = arith.constant 0 : i32
    %c0_i32_1 = arith.constant 0 : i32
    return %c0_i32, %c0_i32_0 : i32, i32
  }
  func.func @transform_4(%arg0: i32) -> (i32, i32) {
    %c0_i32 = arith.constant 0 : i32
    %c0_i32_0 = arith.constant 0 : i32
    %c0_i32_1 = arith.constant 0 : i32
    return %c0_i32, %c0_i32_0 : i32, i32
  }
  func.func @transform_5(%arg0: i32) -> (i32, i32) {
    %c0_i32 = arith.constant 0 : i32
    %c0_i32_0 = arith.constant 0 : i32
    %c0_i32_1 = arith.constant 0 : i32
    return %c0_i32, %c0_i32_0 : i32, i32
  }
  func.func @transform_6(%arg0: i32) -> (i32, i32) {
    %c0_i32 = arith.constant 0 : i32
    %c0_i32_0 = arith.constant 0 : i32
    %c0_i32_1 = arith.constant 0 : i32
    return %c0_i32, %c0_i32_0 : i32, i32
  }
}

</mosaic_0001>

<sc_bundles>
// kernel: kernel.11.cloned.1.call-start
scs
__scs_entry_jumppad:
0x0: {  	(pc) =	sbr.rel $0x88, $3  }
0x1: {  	(tag) =	ssettag $0x0;
	lr =	simm.s32 $0x1  }
0x2: {  	[smem:$0x3F95] =	sst lr;
	_ =	strace $0xD0000000  }
0x3: {  	_ = 	snop  }
0x4: {  	_ = 	snop  }
0x5: {  	_ = 	snop  }
0x6: {  	_ = 	snop  }
0x7: {  	_ = 	snop  }
__scs_overlays_trampoline_lowered:
0x8: {  	[smem:$0x3FA4] =	sst s0  }
0x9: {  	[smem:$0x3FA5] =	sst s1  }
0xa: {  	[smem:$0x3FA6] =	sst s2  }
0xb: {  	[smem:$0x3FA7] =	sst s3  }
0xc: {  	[smem:$0x3FA8] =	sst s4  }
0xd: {  	[smem:$0x3FA9] =	sst s5  }
0xe: {  	[smem:$0x3FAA] =	sst s6  }
0xf: {  	[smem:$0x3FAB] =	sst s7  }
0x10: {  	[smem:$0x3FAC] =	sst s8  }
0x11: {  	[smem:$0x3FAD] =	sst s9;
	s0 =	simm.s32 @!p0 $0x0  }
0x12: {  	s1 =	sld [smem:$0x3F93];
	s0 =	simm.s32 @p0 $0x1  }
0x13: {  	[smem:$0x3FAE] =	sst s0;
	s0 =	simm.s32 @!p1 $0x0  }
0x14: {  	s2 =	sld [smem:$0x3F92];
	s0 =	simm.s32 @p1 $0x1  }
0x15: {  	[smem:$0x3FAF] =	sst s0;
	s0 =	simm.s32 @!p2 $0x0  }
0x16: {  	s3 =	sld [smem:$0x3FDB];
	s0 =	simm.s32 @p2 $0x1  }
0x17: {  	s4 =	simm.s32 $0x1BF5;
	[smem:$0x3FB1] =	sst s0  }
0x18: {  	s0 =	sld [smem:$0x3F94];
	_ =	swait.ge [sflag:s4], $0x0  }
0x19: {  	s7 =	sld [smem:$0x3F95]  }
0x1a: {  	s8 =	sadd.s32 $0xFFFFE003, lr  }
0x1b: {  	s9 =	sadd.s32 $0xFFFFFEF7, lr;
	s5 =	simm.s32 $0xFFFFFFFF;
	p2 =	slt.u32 s8, $0xFFFFF086  }
0x1c: {  	p1 =	slt.u32 s9, $0xF7A;
	s5 =	simm.s32 @!p2 $0x0  }
0x1d: {  	s5 =	simm.s32 @p1 $0x1;
	p0 =	seq.s32 s7, s2  }
0x1e: {  	s7 =	smul.u32 @!p0 $0xF7A, s2;
	p2 =	seq.s32 @!p0 s5, $0x0  }
0x1f: {  	s9 =	smul.u32 $0xF7A, s1;
	s8 =	simm.s32 @!p0 $0x1BF5;
	p2 =	por !p2, p0  }
0x20: {  	[sflag:s8] =	ssyncset.s32 @!p0 $0xFFFFF086;
	s6 =	sadd.s32 @!p0 s3, s7;
	s7 =	simm.s32 @!p0 $0x108  }
0x21: {  	s3 =	sadd.s32 s3, s9;
	s6 =	sadd.s32 @!p0 $0x88, s6;
	s7 =	simm.s32 @p2 $0x1082  }
0x22: {  	[simem:s7], [sflag:s8] =	dma.local @!p0 [hbm:s6], $0xF7A  }
0x23: {  	s9 =	sor.u32 $0xD0000000, s2;
	s6 =	simm.s32 $0x108;
	_ =	swait.ge @!p0 [sflag:s8], $0x0  }
0x24: {  	s3 =	sadd.s32 $0x88, s3;
	s6 =	simm.s32 @!p1 $0x1082;
	[sflag:s4] =	ssyncset.s32 $0xFFFFF086  }
0x25: {  	[simem:s6], [sflag:s4] =	dma.local [hbm:s3], $0xF7A  }
0x26: {  	[smem:$0x3F95] =	sst s1;
	(tag) =	ssettag s2;
	_ =	strace s9  }
0x27: {  	s1 =	sld [smem:$0x3FA5]  }
0x28: {  	s2 =	sld [smem:$0x3FA6]  }
0x29: {  	s4 =	sld [smem:$0x3FA8]  }
0x2a: {  	p0 =	seq.s32 s5, $0x0;
	s5 =	sld [smem:$0x3FA9]  }
0x2b: {  	s6 =	sld [smem:$0x3FAA]  }
0x2c: {  	s7 =	sld [smem:$0x3FAB]  }
0x2d: {  	s3 =	simm.s32 $0x108;
	s8 =	sld [smem:$0x3FAC]  }
0x2e: {  	s3 =	simm.s32 @!p0 $0x1082;
	s9 =	sld [smem:$0x3FAD]  }
0x2f: {  	lr =	sadd.s32 s0, s3;
	s0 =	sld [smem:$0x3FA4]  }
0x30: {  	s3 =	sld [smem:$0x3FA7]  }
0x31: {  	[smem:$0x3FB0] =	sst s10  }
0x32: {  	s10 =	sld [smem:$0x3FAE];
	_ =	sdelay $0x3  }
0x33: {  	p0 =	seq.s32 s10, $0x1;
	s10 =	sld [smem:$0x3FB0];
	_ =	sdelay $0x3  }
0x34: {  	[smem:$0x3FB0] =	sst s10  }
0x35: {  	s10 =	sld [smem:$0x3FAF];
	_ =	sdelay $0x3  }
0x36: {  	p1 =	seq.s32 s10, $0x1;
	s10 =	sld [smem:$0x3FB0];
	_ =	sdelay $0x3  }
0x37: {  	[smem:$0x3FB0] =	sst s10  }
0x38: {  	s10 =	sld [smem:$0x3FB1]  }
0x39: {  	_ = 	snop;
	(pc) =	sbr.ind lr, $3  }
0x3a: {  	_ = 	snop  }
0x3b: {  	_ = 	snop  }
0x3c: {  	p2 =	seq.s32 s10, $0x1;
	s10 =	sld [smem:$0x3FB0]  }
0x3d: {  	_ =	shalt  }
0x3e: {  	_ =	shalt  }
0x3f: {  	_ =	shalt  }
0x40: {  	_ =	shalt  }
0x41: {  	_ =	shalt  }
0x42: {  	_ =	shalt  }
0x43: {  	_ =	shalt  }
0x44: {  	_ =	shalt  }
0x45: {  	_ =	shalt  }
0x46: {  	_ =	shalt  }
0x47: {  	_ =	shalt  }
0x48: {  	_ =	shalt  }
0x49: {  	_ =	shalt  }
0x4a: {  	_ =	shalt  }
0x4b: {  	_ =	shalt  }
0x4c: {  	_ =	shalt  }
0x4d: {  	_ =	shalt  }
0x4e: {  	_ =	shalt  }
0x4f: {  	_ =	shalt  }
0x50: {  	_ =	shalt  }
0x51: {  	_ =	shalt  }
0x52: {  	_ =	shalt  }
0x53: {  	_ =	shalt  }
0x54: {  	_ =	shalt  }
0x55: {  	_ =	shalt  }
0x56: {  	_ =	shalt  }
0x57: {  	_ =	shalt  }
0x58: {  	_ =	shalt  }
0x59: {  	_ =	shalt  }
0x5a: {  	_ =	shalt  }
0x5b: {  	_ =	shalt  }
0x5c: {  	_ =	shalt  }
0x5d: {  	_ =	shalt  }
0x5e: {  	_ =	shalt  }
0x5f: {  	_ =	shalt  }
0x60: {  	_ =	shalt  }
0x61: {  	_ =	shalt  }
0x62: {  	_ =	shalt  }
0x63: {  	_ =	shalt  }
0x64: {  	_ =	shalt  }
0x65: {  	_ =	shalt  }
0x66: {  	_ =	shalt  }
0x67: {  	_ =	shalt  }
0x68: {  	_ =	shalt  }
0x69: {  	_ =	shalt  }
0x6a: {  	_ =	shalt  }
0x6b: {  	_ =	shalt  }
0x6c: {  	_ =	shalt  }
0x6d: {  	_ =	shalt  }
0x6e: {  	_ =	shalt  }
0x6f: {  	_ =	shalt  }
0x70: {  	_ =	shalt  }
0x71: {  	_ =	shalt  }
0x72: {  	_ =	shalt  }
0x73: {  	_ =	shalt  }
0x74: {  	_ =	shalt  }
0x75: {  	_ =	shalt  }
0x76: {  	_ =	shalt  }
0x77: {  	_ =	shalt  }
0x78: {  	_ =	shalt  }
0x79: {  	_ =	shalt  }
0x7a: {  	_ =	shalt  }
0x7b: {  	_ =	shalt  }
0x7c: {  	_ =	shalt  }
0x7d: {  	_ =	shalt  }
0x7e: {  	_ =	shalt  }
0x7f: {  	_ =	shalt  }
0x80: {  	_ =	shalt  }
0x81: {  	_ =	shalt  }
0x82: {  	_ =	shalt  }
0x83: {  	_ =	shalt  }
0x84: {  	_ =	shalt  }
0x85: {  	_ =	shalt  }
0x86: {  	_ =	shalt  }
0x87: {  	_ =	shalt  }
.Lfunc_end0:
.L_simem_size_0:
called_computation_lowered:
.L_overlay_start_0:
0x88: {  	s2 =	sld [smem:$0x3FD9]  }
0x89: {  	s3 =	sld [smem:$0x3FFE];
	_ =	sdelay $0x1  }
0x8a: {  	s1 =	srdreg.scid  }
0x8b: {  	s0 =	sand.u32 $0x1, s1  }
0x8c: {  	s17 =	sshll.u32 s0, $0xA;
	s2 =	sadd.s32 s3, s2  }
0x8d: {  	s2 =	sadd.s32 s2, s17  }
0x8e: {  	[smem:$0x3FBC] =	sst s2  }
0x8f: {  	_ = 	snop  }
0x90: {  	(tm) =	ssettm $0x1  }
0x91: {  	s18 =	sld [smem:$0x3FFB];
	_ =	sdelay $0x3  }
0x92: {  	_ =	strace s18  }
0x93: {  	s2 =	sld [smem:$0x3FFC];
	_ =	sdelay $0x3  }
0x94: {  	_ =	strace s2  }
0x95: {  	s2 =	sld [smem:$0x3FFD];
	_ =	sdelay $0x3  }
0x96: {  	_ =	strace s2  }
0x97: {  	_ =	strace $0x8FFFFFFF  }
0x98: {  	s19 =	sld [smem:$0x3FDB];
	_ =	sdelay $0x1  }
0x99: {  	s20 =	simm.s32 $_scs_section_size  }
0x9a: {  	s4 =	simm.s32 $_size__tile_overlayer_lowered;
	s5 =	simm.s32 $_tile_overlayer_lowered  }
0x9b: {  	s6 =	simm.s32 $0x1BFF;
	s21 =	sshll.u32 s5, $0x1;
	s3 =	sadd.s32 s20, s19  }
0x9c: {  	s22 =	simm.s32 $0x0;
	s4 =	sshll.u32 s4, $0x1;
	s5 =	sadd.s32 s21, s3  }
0x9d: {  	[timem:s22], [sflag:s6] =	dma.local [hbm:s5], s4  }
0x9e: {  	_ =	swait.ge [sflag:s6], s4  }
0x9f: {  	s4 =	ssub.s32 $0x0, s4;
	[sflag:s6] =	ssyncset.done $0x0  }
0xa0: {  	[sflag:s6] =	ssyncadd.s32 s4;
	_ =	sdelay $0x1  }
0xa1: {  	s23 =	simm.s32 $0x1B8B  }
0xa2: {  	_ =	swait.ge [sflag:s23], $0x1  }
0xa3: {  	[sflag:s23] =	ssyncset.done $0x0  }
0xa4: {  	[sflag:s23] =	ssyncadd.s32 $0xFFFFFFFF  }
0xa5: {  	s4 =	sld [smem:$0x0]  }
0xa6: {  	s5 =	sand.u32 $0xFFFFFFFE, s1  }
0xa7: {  	p0 =	sne.s32 s1, s5  }
0xa8: {  	s5 =	sshll.u32 @p0 s5, $0xE  }
0xa9: {  	s5 =	sadd.s32 @p0 $0x11B8D, s5;
	s6 =	sshll.u32 @p0 s4, $0x11  }
0xaa: {  	s5 =	sor.u32 @p0 s6, s5  }
0xab: {  	[sflag:s5] =	ssyncadd.remote.s32 @p0 $0x1;
	_ =	sdelay $0x1  }
0xac: {  	s5 =	simm.s32 @p0 $0x1B8D  }
0xad: {  	_ =	swait.eq @p0 [sflag:s5], $0x1  }
0xae: {  	[sflag:s5] =	ssyncadd.s32 @p0 $0xFFFFFFFF  }
0xaf: {  	s6 =	sshll.u32 @!p0 s1, $0xE  }
0xb0: {  	s6 =	sor.u32 @!p0 $0x4000, s6;
	s5 =	simm.s32 @!p0 $0x1B8D  }
0xb1: {  	s4 =	sshll.u32 @!p0 s4, $0x11;
	s6 =	sadd.s32 @!p0 $0x11B8D, s6;
	_ =	swait.eq @!p0 [sflag:s5], $0x1  }
0xb2: {  	s4 =	sor.u32 @!p0 s4, s6;
	[sflag:s5] =	ssyncadd.s32 @!p0 $0xFFFFFFFF  }
0xb3: {  	s25 =	simm.s32 $0x1B8E;
	s24 =	sld [smem:$0x3FFE];
	[sflag:s4] =	ssyncadd.remote.s32 @!p0 $0x1  }
0xb4: {  	s26 =	simm.s32 $execute0_lowered;
	[smem:$0x3FD2] =	sst s25  }
0xb5: {  	s5 =	sshll.u32 s26, $0x1;
	_ =	strace $0x80000049;
	[dreg:$0x1] =	wrdreg $0xFFFFFFFF  }
0xb6: {  	s28 =	simm.s32 $_size_execute0_lowered;
	s3 =	sadd.s32 s3, s5;
	[dreg:$0x0] =	wrdreg $0x0  }
0xb7: {  	s5 =	sshll.u32 s28, $0x1;
	[dreg:$0x2] =	wrdreg s3  }
0xb8: {  	[dreg:$0x3] =	wrdreg s5  }
0xb9: {  	[dreg:$0x4] =	wrdreg $0xC0  }
0xba: {  	_ =	task [dreg:s22], $0x5FFFF  }
0xbb: {  	[dreg:$0x1] =	wrdreg $0xFFFFFFFF  }
0xbc: {  	[dreg:$0x0] =	wrdreg $0x60  }
0xbd: {  	[dreg:$0x2] =	wrdreg s24  }
0xbe: {  	[dreg:$0x3] =	wrdreg $0x9  }
0xbf: {  	_ =	task.clear_ibuf [dreg:s22], $0x4FFFF;
	_ =	strace $0x90000049  }
0xc0: {  	s29 =	simm.s32 $0x9;
	_ =	strace $0x8000004B  }
0xc1: {  	_ =	swait.ge [sflag:s29], $0x1  }
0xc2: {  	[sflag:s29] =	ssyncadd.s32 $0xFFFFFFFF  }
0xc3: {  	_ =	strace $0x9000004B  }
0xc4: {  	_ =	sfence  }
0xc5: {  	s30 =	sld [smem:$0x0];
	_ =	sdelay $0x2  }
0xc6: {  	s31 =	sshll.u32 s1, $0xD;
	s1 =	sshrl.u32 s1, $0x2  }
0xc7: {  	s4 =	sand.u32 $0x4000, s31;
	s1 =	sadd.s32 s1, s30  }
0xc8: {  	s0 =	sor.u32 s4, s0;
	s1 =	sshll.u32 s1, $0x11  }
0xc9: {  	s0 =	sor.u32 s1, s0  }
0xca: {  	s0 =	sadd.s32 $0x8F2B, s0  }
0xcb: {  	[sflag:s0] =	ssyncadd.remote.s32 $0x1  }
0xcc: {  	_ =	sfence.sel $0xFFFF  }
0xcd: {  	[dreg:$0x0] =	wrdreg $0xFFFFFFFF;
	(pc) =	sbr.abs _section_cstart, $3  }
0xce: {  	[dreg:$0x1] =	wrdreg $0xFFFFFFFF  }
0xcf: {  	_ =	task.clear_ibuf [dreg:s22], $0x2FFFF;
	_ =	strace $0x9FFFFFFF  }
0xd0: {  	(tm) =	ssettm $0x7FFFFFFF  }
0xd1: {  	_ =	shalt  }
tec
execute0_lowered:
.L_overlay_start_1:
0x0: {  	(tag) =	ssettag $0x1  }
0x1: {  	s4 =	rddreg [dreg:$0x0]  }
0x2: {  	s0 =	rddreg [dreg:$0x1];
	s2 =	simm.s32 $0x0;
	s1 =	stileid.u32  }
0x3: {  	s3 =	srdreg.scid;
	s10 =	simm.s32 $0x0;
	s6 =	smul.u32 $0xD00, s1  }
0x4: {  	[smem:$0x7FF] =	sst s2;
	s5 =	sand.u32 $0x1, s3;
	s8 =	smul.u32 $0x6800, s1  }
0x5: {  	s3 =	sadd.s32 $0x1EAC00, s4;
	s7 =	smul.u32 $0x680, s5;
	s9 =	ssub.s32 $0x2, s5  }
0x6: {  	_ =	strace $0x8000004A;
	s5 =	smul.u32 $0x3400, s5;
	s31 =	sshrl.u32 s9, $0x1  }
0x7: {  	s8 =	sadd.s32 s8, s4;
	s6 =	sadd.s32 s7, s6;
	s7 =	ssub.s32 s9, s31  }
0x8: {  	s5 =	sadd.s32 s5, s8;
	s8 =	simm.s32 $0x80;
	s6 =	sshrl.u32 s6, $0x3  }
0x9: {  	s9 =	simm.s32 $0x1;
	s5 =	sadd.s32 $0x65C00, s5;
	s6 =	sadd.s32 s6, s4  }
0xa: {  	s4 =	smax.u32 s7, $0x1;
	s7 =	simm.s32 $0x2;
	s6 =	sadd.s32 $0x64200, s6  }
.LBB2_1:
0xb: {  	s11 =	sadd.s32 $0x0, s6  }
0xc: {  	[tilespmem:s2], [sflag:$0x2] =	stream.linear.gather [hbm4b:s11+s2], $0x80, $0x38;
	[tilespmem:$0x2080] =	vst v63  }
0xd: {  	_ =	swait.ge [sflag:s7], $0x80  }
0xe: {  	[sflag:s7] =	ssyncset.done $0x0  }
0xf: {  	[sflag:s7] =	ssyncadd.s32 $0xFFFFFF80  }
0x10: {  	[tilespmem:s8], [sflag:$0x1] =	stream.indirect.gather [hbm4b:s3+s8], $0x40, s2, s8, $0xb8;
	[tilespmem:$0x2080] =	vst v63  }
0x11: {  	_ =	swait.ge [sflag:s9], $0x2000  }
0x12: {  	[sflag:s9] =	ssyncset.done $0x0  }
0x13: {  	[sflag:s9] =	ssyncadd.s32 $0xFFFFE000  }
0x14: {  	[hbm4b:s5+s2] =	stream.linear.scatter [tilespmem:s8], [sflag:$0x2], $0x2000, $0x38;
	[tilespmem:$0x2080] =	vst v63  }
0x15: {  	s12 =	simm.s32 $0x10;
	_ =	swait.ge [sflag:s7], $0x2000  }
0x16: {  	s13 =	simm.s32 $0x20;
	s11 =	sadd.s32 $0x400, s5;
	[sflag:s7] =	ssyncset.done $0x0  }
.LBB2_2:
0x17: {  	s14 =	sadd.s32 s12, s6  }
0x18: {  	[sflag:s7] =	ssyncadd.s32 $0xFFFFE000;
	s12 =	smov.u32 s13;
	s15 =	sadd.s32 $0x10, s13  }
0x19: {  	[tilespmem:s2], [sflag:$0x2] =	stream.linear.gather [hbm4b:s14+s2], $0x80, $0x38;
	[tilespmem:$0x2080] =	vst v63  }
0x1a: {  	p0 =	sne.s32 s13, $0xC0;
	_ =	swait.ge [sflag:s7], $0x80  }
0x1b: {  	[sflag:s7] =	ssyncset.done $0x0  }
0x1c: {  	[sflag:s7] =	ssyncadd.s32 $0xFFFFFF80  }
0x1d: {  	[tilespmem:s8], [sflag:$0x1] =	stream.indirect.gather [hbm4b:s3+s8], $0x40, s2, s8, $0xb8;
	[tilespmem:$0x2080] =	vst v63  }
0x1e: {  	_ =	swait.ge [sflag:s9], $0x2000  }
.Ltmp0:
0x1f: {  	[sflag:s9] =	ssyncset.done $0x0;
	(pc) =	sbr.rel @p0 .LBB2_2-.Ltmp0, $4  }
0x20: {  	[sflag:s9] =	ssyncadd.s32 $0xFFFFE000  }
0x21: {  	[hbm4b:s11+s2] =	stream.linear.scatter [tilespmem:s8], [sflag:$0x2], $0x2000, $0x38;
	[tilespmem:$0x2080] =	vst v63  }
0x22: {  	_ =	swait.ge [sflag:s7], $0x2000  }
0x23: {  	s13 =	smov.u32 s15;
	s11 =	sadd.s32 $0x400, s11;
	[sflag:s7] =	ssyncset.done $0x0  }
0x24: {  	s12 =	sadd.s32 s12, s6;
	[sflag:s7] =	ssyncadd.s32 $0xFFFFE000  }
0x25: {  	[tilespmem:s2], [sflag:$0x2] =	stream.linear.gather [hbm4b:s12+s2], $0x80, $0x38;
	[tilespmem:$0x2080] =	vst v63  }
0x26: {  	_ =	swait.ge [sflag:s7], $0x80  }
0x27: {  	[sflag:s7] =	ssyncset.done $0x0  }
0x28: {  	[sflag:s7] =	ssyncadd.s32 $0xFFFFFF80  }
0x29: {  	[tilespmem:s8], [sflag:$0x1] =	stream.indirect.gather [hbm4b:s3+s8], $0x40, s2, s8, $0xb8;
	[tilespmem:$0x2080] =	vst v63  }
0x2a: {  	s10 =	sadd.s32 $0x1, s10;
	_ =	swait.ge [sflag:s9], $0x2000  }
0x2b: {  	p0 =	sne.s32 s10, s4;
	[sflag:s9] =	ssyncset.done $0x0  }
.Ltmp1:
0x2c: {  	[sflag:s9] =	ssyncadd.s32 $0xFFFFE000;
	(pc) =	sbr.rel @p0 .LBB2_1-.Ltmp1, $4  }
0x2d: {  	[hbm4b:s11+s2] =	stream.linear.scatter [tilespmem:s8], [sflag:$0x2], $0x2000, $0x38;
	[tilespmem:$0x2080] =	vst v63  }
0x2e: {  	_ =	swait.ge [sflag:s7], $0x2000  }
0x2f: {  	[sflag:s7] =	ssyncset.done $0x0  }
0x30: {  	[sflag:s7] =	ssyncadd.s32 $0xFFFFE000  }
0x31: {  	_ =	sfence.sel $0x180000  }
0x32: {  	[bflag:$0x0] =	sbarrier.arrive $0xFFFF  }
0x33: {  	p0 =	sne.s32 s1, $0x0;
	_ =	strace $0x9000004A  }
0x34: {  	s0 =	sadd.s32 @!p0 $0x100000, s0;
	[bflag:$0x2] =	sbarrier.arrive $0xFFFF  }
0x35: {  	[sflag:s0] =	ssyncadd.tile.s32 @!p0 $0x1;
	_ =	shalt  }
.Lfunc_end2:
_tile_overlayer_lowered:
.L_overlay_start_2:
0x36: {  	(tag) =	ssettag $0x2  }
0x37: {  	s0 =	rddreg [dreg:$0x0];
	s2 =	stileid.u32  }
0x38: {  	s1 =	rddreg [dreg:$0x1];
	p0 =	sne.s32 s2, $0x0  }
0x39: {  	s3 =	rddreg [dreg:$0x2];
	[bflag:$0x3] =	sbarrier.arrive $0xFFFF;
	s2 =	simm.s32 @!p0 $0x1C02  }
0x3a: {  	[timem:s3], [sflag:s2] =	dma.local @!p0 [hbm:s0], s1  }
0x3b: {  	s0 =	simm.s32 @!p0 $0x2  }
0x3c: {  	_ =	swait.ge @!p0 [sflag:s0], s1  }
0x3d: {  	s1 =	ssub.s32 @!p0 $0x0, s1;
	[sflag:s0] =	ssyncset.done @!p0 $0x0  }
0x3e: {  	[sflag:s0] =	ssyncadd.s32 @!p0 s1  }
0x3f: {  	[bflag:$0x3] =	sbarrier.arrive $0xFFFF  }
0x40: {  	_ =	shalt  }

// kernel: kernel.14.cloned.1.call-start
scs
__scs_entry_jumppad:
0x0: {  	(pc) =	sbr.rel $0x88, $3  }
0x1: {  	(tag) =	ssettag $0x0;
	lr =	simm.s32 $0x1  }
0x2: {  	[smem:$0x3F95] =	sst lr;
	_ =	strace $0xD0000000  }
0x3: {  	_ = 	snop  }
0x4: {  	_ = 	snop  }
0x5: {  	_ = 	snop  }
0x6: {  	_ = 	snop  }
0x7: {  	_ = 	snop  }
__scs_overlays_trampoline_lowered:
0x8: {  	[smem:$0x3FA4] =	sst s0  }
0x9: {  	[smem:$0x3FA5] =	sst s1  }
0xa: {  	[smem:$0x3FA6] =	sst s2  }
0xb: {  	[smem:$0x3FA7] =	sst s3  }
0xc: {  	[smem:$0x3FA8] =	sst s4  }
0xd: {  	[smem:$0x3FA9] =	sst s5  }
0xe: {  	[smem:$0x3FAA] =	sst s6  }
0xf: {  	[smem:$0x3FAB] =	sst s7  }
0x10: {  	[smem:$0x3FAC] =	sst s8  }
0x11: {  	[smem:$0x3FAD] =	sst s9;
	s0 =	simm.s32 @!p0 $0x0  }
0x12: {  	s1 =	sld [smem:$0x3F93];
	s0 =	simm.s32 @p0 $0x1  }
0x13: {  	[smem:$0x3FAE] =	sst s0;
	s0 =	simm.s32 @!p1 $0x0  }
0x14: {  	s2 =	sld [smem:$0x3F92];
	s0 =	simm.s32 @p1 $0x1  }
0x15: {  	[smem:$0x3FAF] =	sst s0;
	s0 =	simm.s32 @!p2 $0x0  }
0x16: {  	s3 =	sld [smem:$0x3FDB];
	s0 =	simm.s32 @p2 $0x1  }
0x17: {  	s4 =	simm.s32 $0x1BF5;
	[smem:$0x3FB1] =	sst s0  }
0x18: {  	s0 =	sld [smem:$0x3F94];
	_ =	swait.ge [sflag:s4], $0x0  }
0x19: {  	s7 =	sld [smem:$0x3F95]  }
0x1a: {  	s8 =	sadd.s32 $0xFFFFE003, lr  }
0x1b: {  	s9 =	sadd.s32 $0xFFFFFEF7, lr;
	s5 =	simm.s32 $0xFFFFFFFF;
	p2 =	slt.u32 s8, $0xFFFFF086  }
0x1c: {  	p1 =	slt.u32 s9, $0xF7A;
	s5 =	simm.s32 @!p2 $0x0  }
0x1d: {  	s5 =	simm.s32 @p1 $0x1;
	p0 =	seq.s32 s7, s2  }
0x1e: {  	s7 =	smul.u32 @!p0 $0xF7A, s2;
	p2 =	seq.s32 @!p0 s5, $0x0  }
0x1f: {  	s9 =	smul.u32 $0xF7A, s1;
	s8 =	simm.s32 @!p0 $0x1BF5;
	p2 =	por !p2, p0  }
0x20: {  	[sflag:s8] =	ssyncset.s32 @!p0 $0xFFFFF086;
	s6 =	sadd.s32 @!p0 s3, s7;
	s7 =	simm.s32 @!p0 $0x108  }
0x21: {  	s3 =	sadd.s32 s3, s9;
	s6 =	sadd.s32 @!p0 $0x88, s6;
	s7 =	simm.s32 @p2 $0x1082  }
0x22: {  	[simem:s7], [sflag:s8] =	dma.local @!p0 [hbm:s6], $0xF7A  }
0x23: {  	s9 =	sor.u32 $0xD0000000, s2;
	s6 =	simm.s32 $0x108;
	_ =	swait.ge @!p0 [sflag:s8], $0x0  }
0x24: {  	s3 =	sadd.s32 $0x88, s3;
	s6 =	simm.s32 @!p1 $0x1082;
	[sflag:s4] =	ssyncset.s32 $0xFFFFF086  }
0x25: {  	[simem:s6], [sflag:s4] =	dma.local [hbm:s3], $0xF7A  }
0x26: {  	[smem:$0x3F95] =	sst s1;
	(tag) =	ssettag s2;
	_ =	strace s9  }
0x27: {  	s1 =	sld [smem:$0x3FA5]  }
0x28: {  	s2 =	sld [smem:$0x3FA6]  }
0x29: {  	s4 =	sld [smem:$0x3FA8]  }
0x2a: {  	p0 =	seq.s32 s5, $0x0;
	s5 =	sld [smem:$0x3FA9]  }
0x2b: {  	s6 =	sld [smem:$0x3FAA]  }
0x2c: {  	s7 =	sld [smem:$0x3FAB]  }
0x2d: {  	s3 =	simm.s32 $0x108;
	s8 =	sld [smem:$0x3FAC]  }
0x2e: {  	s3 =	simm.s32 @!p0 $0x1082;
	s9 =	sld [smem:$0x3FAD]  }
0x2f: {  	lr =	sadd.s32 s0, s3;
	s0 =	sld [smem:$0x3FA4]  }
0x30: {  	s3 =	sld [smem:$0x3FA7]  }
0x31: {  	[smem:$0x3FB0] =	sst s10  }
0x32: {  	s10 =	sld [smem:$0x3FAE];
	_ =	sdelay $0x3  }
0x33: {  	p0 =	seq.s32 s10, $0x1;
	s10 =	sld [smem:$0x3FB0];
	_ =	sdelay $0x3  }
0x34: {  	[smem:$0x3FB0] =	sst s10  }
0x35: {  	s10 =	sld [smem:$0x3FAF];
	_ =	sdelay $0x3  }
0x36: {  	p1 =	seq.s32 s10, $0x1;
	s10 =	sld [smem:$0x3FB0];
	_ =	sdelay $0x3  }
0x37: {  	[smem:$0x3FB0] =	sst s10  }
0x38: {  	s10 =	sld [smem:$0x3FB1]  }
0x39: {  	_ = 	snop;
	(pc) =	sbr.ind lr, $3  }
0x3a: {  	_ = 	snop  }
0x3b: {  	_ = 	snop  }
0x3c: {  	p2 =	seq.s32 s10, $0x1;
	s10 =	sld [smem:$0x3FB0]  }
0x3d: {  	_ =	shalt  }
0x3e: {  	_ =	shalt  }
0x3f: {  	_ =	shalt  }
0x40: {  	_ =	shalt  }
0x41: {  	_ =	shalt  }
0x42: {  	_ =	shalt  }
0x43: {  	_ =	shalt  }
0x44: {  	_ =	shalt  }
0x45: {  	_ =	shalt  }
0x46: {  	_ =	shalt  }
0x47: {  	_ =	shalt  }
0x48: {  	_ =	shalt  }
0x49: {  	_ =	shalt  }
0x4a: {  	_ =	shalt  }
0x4b: {  	_ =	shalt  }
0x4c: {  	_ =	shalt  }
0x4d: {  	_ =	shalt  }
0x4e: {  	_ =	shalt  }
0x4f: {  	_ =	shalt  }
0x50: {  	_ =	shalt  }
0x51: {  	_ =	shalt  }
0x52: {  	_ =	shalt  }
0x53: {  	_ =	shalt  }
0x54: {  	_ =	shalt  }
0x55: {  	_ =	shalt  }
0x56: {  	_ =	shalt  }
0x57: {  	_ =	shalt  }
0x58: {  	_ =	shalt  }
0x59: {  	_ =	shalt  }
0x5a: {  	_ =	shalt  }
0x5b: {  	_ =	shalt  }
0x5c: {  	_ =	shalt  }
0x5d: {  	_ =	shalt  }
0x5e: {  	_ =	shalt  }
0x5f: {  	_ =	shalt  }
0x60: {  	_ =	shalt  }
0x61: {  	_ =	shalt  }
0x62: {  	_ =	shalt  }
0x63: {  	_ =	shalt  }
0x64: {  	_ =	shalt  }
0x65: {  	_ =	shalt  }
0x66: {  	_ =	shalt  }
0x67: {  	_ =	shalt  }
0x68: {  	_ =	shalt  }
0x69: {  	_ =	shalt  }
0x6a: {  	_ =	shalt  }
0x6b: {  	_ =	shalt  }
0x6c: {  	_ =	shalt  }
0x6d: {  	_ =	shalt  }
0x6e: {  	_ =	shalt  }
0x6f: {  	_ =	shalt  }
0x70: {  	_ =	shalt  }
0x71: {  	_ =	shalt  }
0x72: {  	_ =	shalt  }
0x73: {  	_ =	shalt  }
0x74: {  	_ =	shalt  }
0x75: {  	_ =	shalt  }
0x76: {  	_ =	shalt  }
0x77: {  	_ =	shalt  }
0x78: {  	_ =	shalt  }
0x79: {  	_ =	shalt  }
0x7a: {  	_ =	shalt  }
0x7b: {  	_ =	shalt  }
0x7c: {  	_ =	shalt  }
0x7d: {  	_ =	shalt  }
0x7e: {  	_ =	shalt  }
0x7f: {  	_ =	shalt  }
0x80: {  	_ =	shalt  }
0x81: {  	_ =	shalt  }
0x82: {  	_ =	shalt  }
0x83: {  	_ =	shalt  }
0x84: {  	_ =	shalt  }
0x85: {  	_ =	shalt  }
0x86: {  	_ =	shalt  }
0x87: {  	_ =	shalt  }
.Lfunc_end0:
.L_simem_size_0:
called_computation.1_lowered:
.L_overlay_start_0:
0x88: {  	s2 =	sld [smem:$0x3FD9]  }
0x89: {  	s3 =	sld [smem:$0x3FFE];
	_ =	sdelay $0x1  }
0x8a: {  	s1 =	srdreg.scid  }
0x8b: {  	s0 =	sand.u32 $0x1, s1  }
0x8c: {  	s16 =	sshll.u32 s0, $0xA;
	s2 =	sadd.s32 s3, s2  }
0x8d: {  	s2 =	sadd.s32 s2, s16  }
0x8e: {  	[smem:$0x3FBC] =	sst s2  }
0x8f: {  	_ = 	snop  }
0x90: {  	(tm) =	ssettm $0x1  }
0x91: {  	s17 =	sld [smem:$0x3FFB];
	_ =	sdelay $0x3  }
0x92: {  	_ =	strace s17  }
0x93: {  	s2 =	sld [smem:$0x3FFC];
	_ =	sdelay $0x3  }
0x94: {  	_ =	strace s2  }
0x95: {  	s2 =	sld [smem:$0x3FFD];
	_ =	sdelay $0x3  }
0x96: {  	_ =	strace s2  }
0x97: {  	_ =	strace $0x8FFFFFFF  }
0x98: {  	s18 =	sld [smem:$0x3FDB];
	_ =	sdelay $0x1  }
0x99: {  	s19 =	simm.s32 $_scs_section_size  }
0x9a: {  	s4 =	simm.s32 $_size__tile_overlayer_lowered;
	s5 =	simm.s32 $_tile_overlayer_lowered  }
0x9b: {  	s22 =	simm.s32 $0x1BFF;
	s21 =	sshll.u32 s5, $0x1;
	s2 =	sadd.s32 s19, s18  }
0x9c: {  	s6 =	simm.s32 $0x0;
	s20 =	sshll.u32 s4, $0x1;
	s4 =	sadd.s32 s21, s2  }
0x9d: {  	[timem:s6], [sflag:s22] =	dma.local [hbm:s4], s20  }
0x9e: {  	_ =	swait.ge [sflag:s22], s20  }
0x9f: {  	s3 =	ssub.s32 $0x0, s20;
	[sflag:s22] =	ssyncset.done $0x0  }
0xa0: {  	[sflag:s22] =	ssyncadd.s32 s3;
	_ =	sdelay $0x1  }
0xa1: {  	s23 =	simm.s32 $0x1B8B  }
0xa2: {  	_ =	swait.ge [sflag:s23], $0x1  }
0xa3: {  	[sflag:s23] =	ssyncset.done $0x0  }
0xa4: {  	s25 =	simm.s32 $0x1B8E;
	s24 =	sld [smem:$0x3FFE];
	[sflag:s23] =	ssyncadd.s32 $0xFFFFFFFF  }
0xa5: {  	s26 =	simm.s32 $execute0_lowered;
	[smem:$0x3FD2] =	sst s25  }
0xa6: {  	s4 =	sshll.u32 s26, $0x1;
	_ =	strace $0x80000046;
	[dreg:$0x1] =	wrdreg $0xFFFFFFFF  }
0xa7: {  	s28 =	simm.s32 $_size_execute0_lowered;
	s2 =	sadd.s32 s2, s4;
	[dreg:$0x0] =	wrdreg $0x0  }
0xa8: {  	s4 =	sshll.u32 s28, $0x1;
	[dreg:$0x2] =	wrdreg s2  }
0xa9: {  	[dreg:$0x3] =	wrdreg s4  }
0xaa: {  	[dreg:$0x4] =	wrdreg $0xC0  }
0xab: {  	_ =	task [dreg:s6], $0x5FFFF  }
0xac: {  	[dreg:$0x1] =	wrdreg $0xFFFFFFFF  }
0xad: {  	[dreg:$0x0] =	wrdreg $0x60  }
0xae: {  	[dreg:$0x2] =	wrdreg s24  }
0xaf: {  	[dreg:$0x3] =	wrdreg $0x8800  }
0xb0: {  	[dreg:$0x4] =	wrdreg $0xA  }
0xb1: {  	_ =	task.clear_ibuf [dreg:s6], $0x5FFFF;
	_ =	strace $0x90000046  }
0xb2: {  	s29 =	simm.s32 $0xA;
	_ =	strace $0x80000048  }
0xb3: {  	_ =	swait.ge [sflag:s29], $0x1  }
0xb4: {  	[sflag:s29] =	ssyncadd.s32 $0xFFFFFFFF  }
0xb5: {  	_ =	strace $0x90000048  }
0xb6: {  	_ =	sfence  }
0xb7: {  	s30 =	sld [smem:$0x0];
	_ =	sdelay $0x2  }
0xb8: {  	s31 =	sshll.u32 s1, $0xD;
	s1 =	sshrl.u32 s1, $0x2  }
0xb9: {  	s3 =	sand.u32 $0x4000, s31;
	s1 =	sadd.s32 s1, s30  }
0xba: {  	s0 =	sor.u32 s3, s0;
	s1 =	sshll.u32 s1, $0x11  }
0xbb: {  	s0 =	sor.u32 s1, s0  }
0xbc: {  	s0 =	sadd.s32 $0x8F2B, s0  }
0xbd: {  	[sflag:s0] =	ssyncadd.remote.s32 $0x1  }
0xbe: {  	_ =	sfence.sel $0xFFFF  }
0xbf: {  	[dreg:$0x0] =	wrdreg $0xFFFFFFFF;
	(pc) =	sbr.abs _section_cstart, $3  }
0xc0: {  	[dreg:$0x1] =	wrdreg $0xFFFFFFFF  }
0xc1: {  	_ =	task.clear_ibuf [dreg:s6], $0x2FFFF;
	_ =	strace $0x9FFFFFFF  }
0xc2: {  	(tm) =	ssettm $0x7FFFFFFF  }
0xc3: {  	_ =	shalt  }
tec
execute0_lowered:
.L_overlay_start_1:
0x0: {  	(tag) =	ssettag $0x1  }
0x1: {  	s0 =	srdreg.scid  }
0x2: {  	s4 =	rddreg [dreg:$0x0];
	s5 =	sand.u32 $0x1, s0  }
0x3: {  	s0 =	stileid.u32;
	s6 =	smul.u32 $0x62000, s5  }
0x4: {  	s2 =	rddreg [dreg:$0x1];
	s7 =	smul.u32 $0x6200, s0  }
0x5: {  	s1 =	rddreg [dreg:$0x2];
	s8 =	smul.u32 $0xC380, s0  }
0x6: {  	s3 =	simm.s32 $0x0;
	s12 =	simm.s32 $0x80;
	s28 =	smul.u32 $0x1870, s0  }
0x7: {  	s13 =	simm.s32 $0x0;
	[smem:$0x7FF] =	sst s3;
	s9 =	smul.u32 $0x18700, s5  }
0x8: {  	_ =	strace $0x80000047;
	s5 =	ssub.s32 $0x2, s5;
	s31 =	sshll.u32 s0, $0x6  }
0x9: {  	s30 =	sshrl.u32 s5, $0x1;
	s6 =	sadd.s32 s7, s6;
	s29 =	sshrl.u32 s8, $0x3  }
0xa: {  	s7 =	sadd.s32 s28, s9;
	s9 =	ssub.s32 s5, s30;
	s6 =	sshrl.u32 s6, $0x3  }
0xb: {  	s11 =	sadd.s32 s8, s2;
	s10 =	sadd.s32 s6, s4;
	s6 =	sadd.s32 s29, s4  }
0xc: {  	s5 =	sor.u32 $0x1C01, s31;
	s7 =	sadd.s32 s7, s4;
	s4 =	sadd.s32 $0x1AC00, s6  }
0xd: {  	s6 =	sadd.s32 $0x33400, s7;
	s7 =	smax.u32 s9, $0x1;
	s8 =	sadd.s32 $0x2400, s10  }
0xe: {  	v0 =	vimm.f32 $1.000000000e+00;
	s9 =	sshrl.u32 s11, $0x3;
	s10 =	simm.s32 $0x1;
	s11 =	simm.s32 $0x800  }
.LBB2_1:
0xf: {  	s14 =	simm.s32 $0x40;
	s15 =	simm.s32 $0x0  }
.LBB2_2:
0x10: {  	p0 =	sne.s32 s14, $0x1FC0;
	[tilespmem:s15+$0x0] =	vst v0;
	s15 =	smov.u32 s14;
	s14 =	sadd.s32 $0x40, s14  }
.Ltmp0:
0x11: {  	(pc) =	sbr.rel @p0 .LBB2_2-.Ltmp0, $2  }
0x12: {  	_ =	sdelay $0x2  }
0x13: {  	s15 =	sshra.s32 s15, $0x2  }
0x14: {  	[tilespmem:s15+$0x0] =	vst v0  }
0x15: {  	[spmem:s9], [sflag:s5] =	dma.local [hbm:s4], $0x1870  }
0x16: {  	_ =	swait.ge [sflag:s10], $0x1870  }
0x17: {  	[sflag:s10] =	ssyncset.done $0x0  }
0x18: {  	[sflag:s10] =	ssyncadd.s32 $0xFFFFE790  }
0x19: {  	s14 =	sadd.s32 $0x0, s8;
	[bflag:$0x0] =	sbarrier.arrive $0xFFFF  }
0x1a: {  	[tilespmem:s11], [sflag:$0x1] =	stream.linear.gather [hbm4b:s14+s3], $0x80, $0x38;
	[tilespmem:$0xCC00] =	vst v63  }
0x1b: {  	_ =	swait.ge [sflag:s10], $0x80  }
0x1c: {  	[sflag:s10] =	ssyncset.done $0x0  }
0x1d: {  	[sflag:s10] =	ssyncadd.s32 $0xFFFFFF80  }
0x1e: {  	[spmem:s2] =	stream.indirect.scatter.add.f32 [tilespmem:s3], [sflag:$0x1], $0x10, s11, s12, $0xb8;
	[tilespmem:$0xCC00] =	vst v63  }
0x1f: {  	_ =	swait.ge [sflag:s10], $0x800  }
0x20: {  	s15 =	simm.s32 $0x20;
	s14 =	simm.s32 $0x10;
	[sflag:s10] =	ssyncset.done $0x0  }
.LBB2_4:
0x21: {  	s16 =	sadd.s32 s14, s8  }
0x22: {  	[sflag:s10] =	ssyncadd.s32 $0xFFFFF800;
	s14 =	smov.u32 s15;
	s17 =	sadd.s32 $0x10, s15  }
0x23: {  	[tilespmem:s11], [sflag:$0x1] =	stream.linear.gather [hbm4b:s16+s3], $0x80, $0x38;
	[tilespmem:$0xCC00] =	vst v63  }
0x24: {  	p0 =	sne.s32 s15, $0xC30;
	_ =	swait.ge [sflag:s10], $0x80  }
.Ltmp1:
0x25: {  	[sflag:s10] =	ssyncset.done $0x0;
	(pc) =	sbr.rel @p0 .LBB2_4-.Ltmp1, $4  }
0x26: {  	[sflag:s10] =	ssyncadd.s32 $0xFFFFFF80  }
0x27: {  	[spmem:s2] =	stream.indirect.scatter.add.f32 [tilespmem:s3], [sflag:$0x1], $0x10, s11, s12, $0xb8;
	[tilespmem:$0xCC00] =	vst v63  }
0x28: {  	_ =	swait.ge [sflag:s10], $0x800  }
0x29: {  	s15 =	smov.u32 s17;
	[sflag:s10] =	ssyncset.done $0x0  }
0x2a: {  	s14 =	sadd.s32 s14, s8;
	[sflag:s10] =	ssyncadd.s32 $0xFFFFF800  }
0x2b: {  	[tilespmem:s11], [sflag:$0x1] =	stream.linear.gather [hbm4b:s14+s3], $0x80, $0x38;
	[tilespmem:$0xCC00] =	vst v63  }
0x2c: {  	_ =	swait.ge [sflag:s10], $0x80  }
0x2d: {  	[sflag:s10] =	ssyncset.done $0x0  }
0x2e: {  	[sflag:s10] =	ssyncadd.s32 $0xFFFFFF80  }
0x2f: {  	[spmem:s2] =	stream.indirect.scatter.add.f32 [tilespmem:s3], [sflag:$0x1], $0x10, s11, s12, $0xb8;
	[tilespmem:$0xCC00] =	vst v63  }
0x30: {  	_ =	swait.ge [sflag:s10], $0x800  }
0x31: {  	s13 =	sadd.s32 $0x1, s13;
	[sflag:s10] =	ssyncset.done $0x0  }
0x32: {  	p0 =	sne.s32 s13, s7;
	[sflag:s10] =	ssyncadd.s32 $0xFFFFF800  }
.Ltmp2:
0x33: {  	[bflag:$0x0] =	sbarrier.arrive $0xFFFF;
	(pc) =	sbr.rel @p0 .LBB2_1-.Ltmp2, $4  }
0x34: {  	[hbm:s6], [sflag:s5] =	dma.local [spmem:s9], $0x1870  }
0x35: {  	_ =	swait.ge [sflag:s10], $0x1870  }
0x36: {  	[sflag:s10] =	ssyncset.done $0x0  }
0x37: {  	[sflag:s10] =	ssyncadd.s32 $0xFFFFE790  }
0x38: {  	_ =	sfence.sel $0x180000  }
0x39: {  	[bflag:$0x0] =	sbarrier.arrive $0xFFFF  }
0x3a: {  	p0 =	sne.s32 s0, $0x0;
	_ =	strace $0x90000047  }
0x3b: {  	s0 =	sadd.s32 @!p0 $0x100000, s1;
	[bflag:$0x2] =	sbarrier.arrive $0xFFFF  }
0x3c: {  	[sflag:s0] =	ssyncadd.tile.s32 @!p0 $0x1;
	_ =	shalt  }
.Lfunc_end2:
_tile_overlayer_lowered:
.L_overlay_start_2:
0x3d: {  	(tag) =	ssettag $0x2  }
0x3e: {  	s0 =	rddreg [dreg:$0x0];
	s2 =	stileid.u32  }
0x3f: {  	s1 =	rddreg [dreg:$0x1];
	p0 =	sne.s32 s2, $0x0  }
0x40: {  	s3 =	rddreg [dreg:$0x2];
	[bflag:$0x3] =	sbarrier.arrive $0xFFFF;
	s2 =	simm.s32 @!p0 $0x1C01  }
0x41: {  	[timem:s3], [sflag:s2] =	dma.local @!p0 [hbm:s0], s1  }
0x42: {  	s0 =	simm.s32 @!p0 $0x1  }
0x43: {  	_ =	swait.ge @!p0 [sflag:s0], s1  }
0x44: {  	s1 =	ssub.s32 @!p0 $0x0, s1;
	[sflag:s0] =	ssyncset.done @!p0 $0x0  }
0x45: {  	[sflag:s0] =	ssyncadd.s32 @!p0 s1  }
0x46: {  	[bflag:$0x3] =	sbarrier.arrive $0xFFFF  }
0x47: {  	_ =	shalt  }

// kernel: kernel.17.cloned.1.call-start
scs
__scs_entry_jumppad:
0x0: {  	(pc) =	sbr.rel $0x88, $3  }
0x1: {  	(tag) =	ssettag $0x0;
	lr =	simm.s32 $0x1  }
0x2: {  	[smem:$0x3F95] =	sst lr;
	_ =	strace $0xD0000000  }
0x3: {  	_ = 	snop  }
0x4: {  	_ = 	snop  }
0x5: {  	_ = 	snop  }
0x6: {  	_ = 	snop  }
0x7: {  	_ = 	snop  }
__scs_overlays_trampoline_lowered:
0x8: {  	[smem:$0x3FA4] =	sst s0  }
0x9: {  	[smem:$0x3FA5] =	sst s1  }
0xa: {  	[smem:$0x3FA6] =	sst s2  }
0xb: {  	[smem:$0x3FA7] =	sst s3  }
0xc: {  	[smem:$0x3FA8] =	sst s4  }
0xd: {  	[smem:$0x3FA9] =	sst s5  }
0xe: {  	[smem:$0x3FAA] =	sst s6  }
0xf: {  	[smem:$0x3FAB] =	sst s7  }
0x10: {  	[smem:$0x3FAC] =	sst s8  }
0x11: {  	[smem:$0x3FAD] =	sst s9;
	s0 =	simm.s32 @!p0 $0x0  }
0x12: {  	s1 =	sld [smem:$0x3F93];
	s0 =	simm.s32 @p0 $0x1  }
0x13: {  	[smem:$0x3FAE] =	sst s0;
	s0 =	simm.s32 @!p1 $0x0  }
0x14: {  	s2 =	sld [smem:$0x3F92];
	s0 =	simm.s32 @p1 $0x1  }
0x15: {  	[smem:$0x3FAF] =	sst s0;
	s0 =	simm.s32 @!p2 $0x0  }
0x16: {  	s3 =	sld [smem:$0x3FDB];
	s0 =	simm.s32 @p2 $0x1  }
0x17: {  	s4 =	simm.s32 $0x1BF5;
	[smem:$0x3FB1] =	sst s0  }
0x18: {  	s0 =	sld [smem:$0x3F94];
	_ =	swait.ge [sflag:s4], $0x0  }
0x19: {  	s7 =	sld [smem:$0x3F95]  }
0x1a: {  	s8 =	sadd.s32 $0xFFFFE003, lr  }
0x1b: {  	s9 =	sadd.s32 $0xFFFFFEF7, lr;
	s5 =	simm.s32 $0xFFFFFFFF;
	p2 =	slt.u32 s8, $0xFFFFF086  }
0x1c: {  	p1 =	slt.u32 s9, $0xF7A;
	s5 =	simm.s32 @!p2 $0x0  }
0x1d: {  	s5 =	simm.s32 @p1 $0x1;
	p0 =	seq.s32 s7, s2  }
0x1e: {  	s7 =	smul.u32 @!p0 $0xF7A, s2;
	p2 =	seq.s32 @!p0 s5, $0x0  }
0x1f: {  	s9 =	smul.u32 $0xF7A, s1;
	s8 =	simm.s32 @!p0 $0x1BF5;
	p2 =	por !p2, p0  }
0x20: {  	[sflag:s8] =	ssyncset.s32 @!p0 $0xFFFFF086;
	s6 =	sadd.s32 @!p0 s3, s7;
	s7 =	simm.s32 @!p0 $0x108  }
0x21: {  	s3 =	sadd.s32 s3, s9;
	s6 =	sadd.s32 @!p0 $0x88, s6;
	s7 =	simm.s32 @p2 $0x1082  }
0x22: {  	[simem:s7], [sflag:s8] =	dma.local @!p0 [hbm:s6], $0xF7A  }
0x23: {  	s9 =	sor.u32 $0xD0000000, s2;
	s6 =	simm.s32 $0x108;
	_ =	swait.ge @!p0 [sflag:s8], $0x0  }
0x24: {  	s3 =	sadd.s32 $0x88, s3;
	s6 =	simm.s32 @!p1 $0x1082;
	[sflag:s4] =	ssyncset.s32 $0xFFFFF086  }
0x25: {  	[simem:s6], [sflag:s4] =	dma.local [hbm:s3], $0xF7A  }
0x26: {  	[smem:$0x3F95] =	sst s1;
	(tag) =	ssettag s2;
	_ =	strace s9  }
0x27: {  	s1 =	sld [smem:$0x3FA5]  }
0x28: {  	s2 =	sld [smem:$0x3FA6]  }
0x29: {  	s4 =	sld [smem:$0x3FA8]  }
0x2a: {  	p0 =	seq.s32 s5, $0x0;
	s5 =	sld [smem:$0x3FA9]  }
0x2b: {  	s6 =	sld [smem:$0x3FAA]  }
0x2c: {  	s7 =	sld [smem:$0x3FAB]  }
0x2d: {  	s3 =	simm.s32 $0x108;
	s8 =	sld [smem:$0x3FAC]  }
0x2e: {  	s3 =	simm.s32 @!p0 $0x1082;
	s9 =	sld [smem:$0x3FAD]  }
0x2f: {  	lr =	sadd.s32 s0, s3;
	s0 =	sld [smem:$0x3FA4]  }
0x30: {  	s3 =	sld [smem:$0x3FA7]  }
0x31: {  	[smem:$0x3FB0] =	sst s10  }
0x32: {  	s10 =	sld [smem:$0x3FAE];
	_ =	sdelay $0x3  }
0x33: {  	p0 =	seq.s32 s10, $0x1;
	s10 =	sld [smem:$0x3FB0];
	_ =	sdelay $0x3  }
0x34: {  	[smem:$0x3FB0] =	sst s10  }
0x35: {  	s10 =	sld [smem:$0x3FAF];
	_ =	sdelay $0x3  }
0x36: {  	p1 =	seq.s32 s10, $0x1;
	s10 =	sld [smem:$0x3FB0];
	_ =	sdelay $0x3  }
0x37: {  	[smem:$0x3FB0] =	sst s10  }
0x38: {  	s10 =	sld [smem:$0x3FB1]  }
0x39: {  	_ = 	snop;
	(pc) =	sbr.ind lr, $3  }
0x3a: {  	_ = 	snop  }
0x3b: {  	_ = 	snop  }
0x3c: {  	p2 =	seq.s32 s10, $0x1;
	s10 =	sld [smem:$0x3FB0]  }
0x3d: {  	_ =	shalt  }
0x3e: {  	_ =	shalt  }
0x3f: {  	_ =	shalt  }
0x40: {  	_ =	shalt  }
0x41: {  	_ =	shalt  }
0x42: {  	_ =	shalt  }
0x43: {  	_ =	shalt  }
0x44: {  	_ =	shalt  }
0x45: {  	_ =	shalt  }
0x46: {  	_ =	shalt  }
0x47: {  	_ =	shalt  }
0x48: {  	_ =	shalt  }
0x49: {  	_ =	shalt  }
0x4a: {  	_ =	shalt  }
0x4b: {  	_ =	shalt  }
0x4c: {  	_ =	shalt  }
0x4d: {  	_ =	shalt  }
0x4e: {  	_ =	shalt  }
0x4f: {  	_ =	shalt  }
0x50: {  	_ =	shalt  }
0x51: {  	_ =	shalt  }
0x52: {  	_ =	shalt  }
0x53: {  	_ =	shalt  }
0x54: {  	_ =	shalt  }
0x55: {  	_ =	shalt  }
0x56: {  	_ =	shalt  }
0x57: {  	_ =	shalt  }
0x58: {  	_ =	shalt  }
0x59: {  	_ =	shalt  }
0x5a: {  	_ =	shalt  }
0x5b: {  	_ =	shalt  }
0x5c: {  	_ =	shalt  }
0x5d: {  	_ =	shalt  }
0x5e: {  	_ =	shalt  }
0x5f: {  	_ =	shalt  }
0x60: {  	_ =	shalt  }
0x61: {  	_ =	shalt  }
0x62: {  	_ =	shalt  }
0x63: {  	_ =	shalt  }
0x64: {  	_ =	shalt  }
0x65: {  	_ =	shalt  }
0x66: {  	_ =	shalt  }
0x67: {  	_ =	shalt  }
0x68: {  	_ =	shalt  }
0x69: {  	_ =	shalt  }
0x6a: {  	_ =	shalt  }
0x6b: {  	_ =	shalt  }
0x6c: {  	_ =	shalt  }
0x6d: {  	_ =	shalt  }
0x6e: {  	_ =	shalt  }
0x6f: {  	_ =	shalt  }
0x70: {  	_ =	shalt  }
0x71: {  	_ =	shalt  }
0x72: {  	_ =	shalt  }
0x73: {  	_ =	shalt  }
0x74: {  	_ =	shalt  }
0x75: {  	_ =	shalt  }
0x76: {  	_ =	shalt  }
0x77: {  	_ =	shalt  }
0x78: {  	_ =	shalt  }
0x79: {  	_ =	shalt  }
0x7a: {  	_ =	shalt  }
0x7b: {  	_ =	shalt  }
0x7c: {  	_ =	shalt  }
0x7d: {  	_ =	shalt  }
0x7e: {  	_ =	shalt  }
0x7f: {  	_ =	shalt  }
0x80: {  	_ =	shalt  }
0x81: {  	_ =	shalt  }
0x82: {  	_ =	shalt  }
0x83: {  	_ =	shalt  }
0x84: {  	_ =	shalt  }
0x85: {  	_ =	shalt  }
0x86: {  	_ =	shalt  }
0x87: {  	_ =	shalt  }
.Lfunc_end0:
.L_simem_size_0:
called_computation.2_lowered:
.L_overlay_start_0:
0x88: {  	s2 =	sld [smem:$0x3FD9]  }
0x89: {  	s3 =	sld [smem:$0x3FFE];
	_ =	sdelay $0x1  }
0x8a: {  	s1 =	srdreg.scid  }
0x8b: {  	s0 =	sand.u32 $0x1, s1  }
0x8c: {  	s16 =	sshll.u32 s0, $0xA;
	s2 =	sadd.s32 s3, s2  }
0x8d: {  	s2 =	sadd.s32 s2, s16  }
0x8e: {  	[smem:$0x3FBC] =	sst s2  }
0x8f: {  	_ = 	snop  }
0x90: {  	(tm) =	ssettm $0x1  }
0x91: {  	s17 =	sld [smem:$0x3FFB];
	_ =	sdelay $0x3  }
0x92: {  	_ =	strace s17  }
0x93: {  	s2 =	sld [smem:$0x3FFC];
	_ =	sdelay $0x3  }
0x94: {  	_ =	strace s2  }
0x95: {  	s2 =	sld [smem:$0x3FFD];
	_ =	sdelay $0x3  }
0x96: {  	_ =	strace s2  }
0x97: {  	_ =	strace $0x8FFFFFFF  }
0x98: {  	s18 =	sld [smem:$0x3FDB];
	_ =	sdelay $0x1  }
0x99: {  	s19 =	simm.s32 $_scs_section_size  }
0x9a: {  	s4 =	simm.s32 $_size__tile_overlayer_lowered;
	s5 =	simm.s32 $_tile_overlayer_lowered  }
0x9b: {  	s22 =	simm.s32 $0x1BFF;
	s21 =	sshll.u32 s5, $0x1;
	s2 =	sadd.s32 s19, s18  }
0x9c: {  	s6 =	simm.s32 $0x0;
	s20 =	sshll.u32 s4, $0x1;
	s4 =	sadd.s32 s21, s2  }
0x9d: {  	[timem:s6], [sflag:s22] =	dma.local [hbm:s4], s20  }
0x9e: {  	_ =	swait.ge [sflag:s22], s20  }
0x9f: {  	s3 =	ssub.s32 $0x0, s20;
	[sflag:s22] =	ssyncset.done $0x0  }
0xa0: {  	[sflag:s22] =	ssyncadd.s32 s3;
	_ =	sdelay $0x1  }
0xa1: {  	s23 =	simm.s32 $0x1B8B  }
0xa2: {  	_ =	swait.ge [sflag:s23], $0x1  }
0xa3: {  	[sflag:s23] =	ssyncset.done $0x0  }
0xa4: {  	s25 =	simm.s32 $0x1B8E;
	s24 =	sld [smem:$0x3FFE];
	[sflag:s23] =	ssyncadd.s32 $0xFFFFFFFF  }
0xa5: {  	s26 =	simm.s32 $execute0_lowered;
	[smem:$0x3FD2] =	sst s25  }
0xa6: {  	s4 =	sshll.u32 s26, $0x1;
	_ =	strace $0x8000004C;
	[dreg:$0x1] =	wrdreg $0xFFFFFFFF  }
0xa7: {  	s28 =	simm.s32 $_size_execute0_lowered;
	s2 =	sadd.s32 s2, s4;
	[dreg:$0x0] =	wrdreg $0x0  }
0xa8: {  	s4 =	sshll.u32 s28, $0x1;
	[dreg:$0x2] =	wrdreg s2  }
0xa9: {  	[dreg:$0x3] =	wrdreg s4  }
0xaa: {  	[dreg:$0x4] =	wrdreg $0xC0  }
0xab: {  	_ =	task [dreg:s6], $0x5FFFF  }
0xac: {  	[dreg:$0x1] =	wrdreg $0xFFFFFFFF  }
0xad: {  	[dreg:$0x0] =	wrdreg $0x60  }
0xae: {  	[dreg:$0x2] =	wrdreg s24  }
0xaf: {  	[dreg:$0x3] =	wrdreg $0x44000  }
0xb0: {  	[dreg:$0x4] =	wrdreg $0x9  }
0xb1: {  	_ =	task.clear_ibuf [dreg:s6], $0x5FFFF;
	_ =	strace $0x9000004C  }
0xb2: {  	s29 =	simm.s32 $0x9;
	_ =	strace $0x8000004E  }
0xb3: {  	_ =	swait.ge [sflag:s29], $0x1  }
0xb4: {  	[sflag:s29] =	ssyncadd.s32 $0xFFFFFFFF  }
0xb5: {  	_ =	strace $0x9000004E  }
0xb6: {  	_ =	sfence  }
0xb7: {  	s30 =	sld [smem:$0x0];
	_ =	sdelay $0x2  }
0xb8: {  	s31 =	sshll.u32 s1, $0xD;
	s1 =	sshrl.u32 s1, $0x2  }
0xb9: {  	s3 =	sand.u32 $0x4000, s31;
	s1 =	sadd.s32 s1, s30  }
0xba: {  	s0 =	sor.u32 s3, s0;
	s1 =	sshll.u32 s1, $0x11  }
0xbb: {  	s0 =	sor.u32 s1, s0  }
0xbc: {  	s0 =	sadd.s32 $0x8F2B, s0  }
0xbd: {  	[sflag:s0] =	ssyncadd.remote.s32 $0x1  }
0xbe: {  	_ =	sfence.sel $0xFFFF  }
0xbf: {  	[dreg:$0x0] =	wrdreg $0xFFFFFFFF;
	(pc) =	sbr.abs _section_cstart, $3  }
0xc0: {  	[dreg:$0x1] =	wrdreg $0xFFFFFFFF  }
0xc1: {  	_ =	task.clear_ibuf [dreg:s6], $0x2FFFF;
	_ =	strace $0x9FFFFFFF  }
0xc2: {  	(tm) =	ssettm $0x7FFFFFFF  }
0xc3: {  	_ =	shalt  }
tec
execute0_lowered:
.L_overlay_start_1:
0x0: {  	(tag) =	ssettag $0x1  }
0x1: {  	s5 =	rddreg [dreg:$0x0]  }
0x2: {  	s2 =	rddreg [dreg:$0x1]  }
0x3: {  	s1 =	stileid.u32;
	s0 =	rddreg [dreg:$0x2];
	s3 =	simm.s32 $0x0  }
0x4: {  	s4 =	srdreg.scid;
	s13 =	simm.s32 $0x200;
	s14 =	simm.s32 $0x80  }
0x5: {  	s15 =	simm.s32 $0x400;
	s16 =	simm.s32 $0x1400;
	s17 =	simm.s32 $0x100  }
0x6: {  	s18 =	simm.s32 $0x2400;
	s19 =	simm.s32 $0x180;
	s20 =	simm.s32 $0x3400  }
0x7: {  	s21 =	simm.s32 $0x1;
	s22 =	simm.s32 $0x280;
	s23 =	simm.s32 $0x300  }
0x8: {  	s24 =	simm.s32 $0x380;
	s25 =	simm.s32 $0x0;
	s6 =	smul.u32 $0x1880, s1  }
0x9: {  	s7 =	smul.u32 $0x18700, s1;
	[smem:$0x7FF] =	sst s3;
	s8 =	sand.u32 $0x1, s4  }
0xa: {  	s9 =	smul.u32 $0x30E0, s1;
	s4 =	sadd.s32 $0x1AC00, s5;
	s30 =	sshll.u32 s1, $0x6  }
0xb: {  	_ =	strace $0x8000004D;
	s10 =	smul.u32 $0x30E00, s8;
	s12 =	ssub.s32 $0x2, s8  }
0xc: {  	s8 =	smul.u32 $0x18800, s8;
	s11 =	sadd.s32 s6, s5;
	s26 =	sshrl.u32 s7, $0x3  }
0xd: {  	s28 =	sshrl.u32 s12, $0x1;
	s29 =	sadd.s32 s7, s2;
	s6 =	sadd.s32 s26, s5  }
0xe: {  	s9 =	sadd.s32 s9, s10;
	s10 =	ssub.s32 s12, s28;
	s31 =	sadd.s32 s8, s11  }
0xf: {  	s12 =	simm.s32 $0x2;
	s9 =	sadd.s32 s9, s5;
	s5 =	sadd.s32 $0x7C800, s6  }
0x10: {  	s6 =	sor.u32 $0x1C02, s30;
	s8 =	smax.u32 s10, $0x1;
	s10 =	sadd.s32 $0x2400, s11  }
0x11: {  	s11 =	sshrl.u32 s29, $0x3;
	s7 =	sadd.s32 $0xFEC00, s9;
	s9 =	sadd.s32 $0xCDC00, s31  }
.LBB2_1:
0x12: {  	[spmem:s11], [sflag:s6] =	dma.local [hbm:s5], $0x30E0  }
0x13: {  	_ =	swait.ge [sflag:s12], $0x30E0  }
0x14: {  	[sflag:s12] =	ssyncset.done $0x0  }
0x15: {  	[sflag:s12] =	ssyncadd.s32 $0xFFFFCF20  }
0x16: {  	s26 =	sadd.s32 $0x0, s9;
	[bflag:$0x0] =	sbarrier.arrive $0xFFFF  }
0x17: {  	[tilespmem:s3], [sflag:$0x2] =	stream.linear.gather [hbm4b:s26+s3], $0x200, $0x38;
	[tilespmem:$0x1CB00] =	vst v63  }
0x18: {  	_ =	swait.ge [sflag:s12], $0x200  }
0x19: {  	[sflag:s12] =	ssyncset.done $0x0  }
0x1a: {  	s31 =	sadd.s32 $0x0, s10;
	[sflag:s12] =	ssyncadd.s32 $0xFFFFFE00  }
0x1b: {  	[tilespmem:s13], [sflag:$0x2] =	stream.linear.gather [hbm4b:s31+s3], $0x200, $0x38;
	[tilespmem:$0x1CB00] =	vst v63  }
0x1c: {  	_ =	swait.ge [sflag:s12], $0x200  }
0x1d: {  	[sflag:s12] =	ssyncset.done $0x0  }
0x1e: {  	[sflag:s12] =	ssyncadd.s32 $0xFFFFFE00  }
0x1f: {  	[tilespmem:s15], [sflag:$0x1] =	stream.indirect.gather [hbm4b:s4+s14], $0x20, s3, s14, $0xb8;
	[tilespmem:$0x1CB00] =	vst v63  }
0x20: {  	_ = 	snop  }
0x21: {  	[tilespmem:s16], [sflag:$0x1] =	stream.indirect.gather [hbm4b:s4+s14], $0x20, s14, s14, $0xb8;
	[tilespmem:$0x1CB00] =	vst v63  }
0x22: {  	_ = 	snop  }
0x23: {  	[tilespmem:s18], [sflag:$0x1] =	stream.indirect.gather [hbm4b:s4+s14], $0x20, s17, s14, $0xb8;
	[tilespmem:$0x1CB00] =	vst v63  }
0x24: {  	_ = 	snop  }
0x25: {  	[tilespmem:s20], [sflag:$0x1] =	stream.indirect.gather [hbm4b:s4+s14], $0x20, s19, s14, $0xb8;
	[tilespmem:$0x1CB00] =	vst v63  }
0x26: {  	_ =	swait.ge [sflag:s21], $0x1000  }
0x27: {  	[sflag:s21] =	ssyncset.done $0x0  }
0x28: {  	[sflag:s21] =	ssyncadd.s32 $0xFFFFF000  }
0x29: {  	[spmem:s2] =	stream.indirect.scatter.add.f32 [tilespmem:s15], [sflag:$0x2], $0x20, s13, s14, $0xb8;
	[tilespmem:$0x1CB00] =	vst v63  }
0x2a: {  	_ =	swait.ge [sflag:s12], $0x1000  }
0x2b: {  	[sflag:s12] =	ssyncset.done $0x0  }
0x2c: {  	[sflag:s12] =	ssyncadd.s32 $0xFFFFF000  }
0x2d: {  	_ =	swait.ge [sflag:s21], $0x1000  }
0x2e: {  	[sflag:s21] =	ssyncset.done $0x0  }
0x2f: {  	[sflag:s21] =	ssyncadd.s32 $0xFFFFF000  }
0x30: {  	[spmem:s2] =	stream.indirect.scatter.add.f32 [tilespmem:s16], [sflag:$0x2], $0x20, s22, s14, $0xb8;
	[tilespmem:$0x1CB00] =	vst v63  }
0x31: {  	_ =	swait.ge [sflag:s12], $0x1000  }
0x32: {  	[sflag:s12] =	ssyncset.done $0x0  }
0x33: {  	[sflag:s12] =	ssyncadd.s32 $0xFFFFF000  }
0x34: {  	_ =	swait.ge [sflag:s21], $0x1000  }
0x35: {  	[sflag:s21] =	ssyncset.done $0x0  }
0x36: {  	[sflag:s21] =	ssyncadd.s32 $0xFFFFF000  }
0x37: {  	[spmem:s2] =	stream.indirect.scatter.add.f32 [tilespmem:s18], [sflag:$0x2], $0x20, s23, s14, $0xb8;
	[tilespmem:$0x1CB00] =	vst v63  }
0x38: {  	_ =	swait.ge [sflag:s12], $0x1000  }
0x39: {  	[sflag:s12] =	ssyncset.done $0x0  }
0x3a: {  	[sflag:s12] =	ssyncadd.s32 $0xFFFFF000  }
0x3b: {  	_ =	swait.ge [sflag:s21], $0x1000  }
0x3c: {  	[sflag:s21] =	ssyncset.done $0x0  }
0x3d: {  	[sflag:s21] =	ssyncadd.s32 $0xFFFFF000  }
0x3e: {  	[spmem:s2] =	stream.indirect.scatter.add.f32 [tilespmem:s20], [sflag:$0x2], $0x20, s24, s14, $0xb8;
	[tilespmem:$0x1CB00] =	vst v63  }
0x3f: {  	_ =	swait.ge [sflag:s12], $0x1000  }
0x40: {  	s29 =	simm.s32 $0x80;
	s26 =	simm.s32 $0x40;
	[sflag:s12] =	ssyncset.done $0x0  }
.LBB2_2:
0x41: {  	s30 =	sadd.s32 s26, s9  }
0x42: {  	[sflag:s12] =	ssyncadd.s32 $0xFFFFF000;
	s31 =	smov.u32 s29;
	s28 =	sadd.s32 $0x40, s29  }
0x43: {  	[tilespmem:s3], [sflag:$0x2] =	stream.linear.gather [hbm4b:s30+s3], $0x200, $0x38;
	[tilespmem:$0x1CB00] =	vst v63  }
0x44: {  	p0 =	sne.s32 s29, $0x1840;
	_ =	swait.ge [sflag:s12], $0x200  }
0x45: {  	[sflag:s12] =	ssyncset.done $0x0  }
0x46: {  	s29 =	sadd.s32 s26, s10;
	s26 =	smov.u32 s31;
	[sflag:s12] =	ssyncadd.s32 $0xFFFFFE00  }
0x47: {  	[tilespmem:s13], [sflag:$0x2] =	stream.linear.gather [hbm4b:s29+s3], $0x200, $0x38;
	[tilespmem:$0x1CB00] =	vst v63  }
0x48: {  	_ =	swait.ge [sflag:s12], $0x200  }
0x49: {  	[sflag:s12] =	ssyncset.done $0x0  }
0x4a: {  	[sflag:s12] =	ssyncadd.s32 $0xFFFFFE00  }
0x4b: {  	[tilespmem:s15], [sflag:$0x1] =	stream.indirect.gather [hbm4b:s4+s14], $0x20, s3, s14, $0xb8;
	[tilespmem:$0x1CB00] =	vst v63  }
0x4c: {  	_ = 	snop  }
0x4d: {  	[tilespmem:s16], [sflag:$0x1] =	stream.indirect.gather [hbm4b:s4+s14], $0x20, s14, s14, $0xb8;
	[tilespmem:$0x1CB00] =	vst v63  }
0x4e: {  	_ = 	snop  }
0x4f: {  	[tilespmem:s18], [sflag:$0x1] =	stream.indirect.gather [hbm4b:s4+s14], $0x20, s17, s14, $0xb8;
	[tilespmem:$0x1CB00] =	vst v63  }
0x50: {  	_ = 	snop  }
0x51: {  	[tilespmem:s20], [sflag:$0x1] =	stream.indirect.gather [hbm4b:s4+s14], $0x20, s19, s14, $0xb8;
	[tilespmem:$0x1CB00] =	vst v63  }
0x52: {  	_ =	swait.ge [sflag:s21], $0x1000  }
0x53: {  	[sflag:s21] =	ssyncset.done $0x0  }
0x54: {  	[sflag:s21] =	ssyncadd.s32 $0xFFFFF000  }
0x55: {  	[spmem:s2] =	stream.indirect.scatter.add.f32 [tilespmem:s15], [sflag:$0x2], $0x20, s13, s14, $0xb8;
	[tilespmem:$0x1CB00] =	vst v63  }
0x56: {  	_ =	swait.ge [sflag:s12], $0x1000  }
0x57: {  	[sflag:s12] =	ssyncset.done $0x0  }
0x58: {  	[sflag:s12] =	ssyncadd.s32 $0xFFFFF000  }
0x59: {  	_ =	swait.ge [sflag:s21], $0x1000  }
0x5a: {  	[sflag:s21] =	ssyncset.done $0x0  }
0x5b: {  	[sflag:s21] =	ssyncadd.s32 $0xFFFFF000  }
0x5c: {  	[spmem:s2] =	stream.indirect.scatter.add.f32 [tilespmem:s16], [sflag:$0x2], $0x20, s22, s14, $0xb8;
	[tilespmem:$0x1CB00] =	vst v63  }
0x5d: {  	_ =	swait.ge [sflag:s12], $0x1000  }
0x5e: {  	[sflag:s12] =	ssyncset.done $0x0  }
0x5f: {  	[sflag:s12] =	ssyncadd.s32 $0xFFFFF000  }
0x60: {  	_ =	swait.ge [sflag:s21], $0x1000  }
0x61: {  	[sflag:s21] =	ssyncset.done $0x0  }
0x62: {  	[sflag:s21] =	ssyncadd.s32 $0xFFFFF000  }
0x63: {  	[spmem:s2] =	stream.indirect.scatter.add.f32 [tilespmem:s18], [sflag:$0x2], $0x20, s23, s14, $0xb8;
	[tilespmem:$0x1CB00] =	vst v63  }
0x64: {  	_ =	swait.ge [sflag:s12], $0x1000  }
0x65: {  	[sflag:s12] =	ssyncset.done $0x0  }
0x66: {  	[sflag:s12] =	ssyncadd.s32 $0xFFFFF000  }
0x67: {  	_ =	swait.ge [sflag:s21], $0x1000  }
.Ltmp0:
0x68: {  	[sflag:s21] =	ssyncset.done $0x0;
	(pc) =	sbr.rel @p0 .LBB2_2-.Ltmp0, $4  }
0x69: {  	[sflag:s21] =	ssyncadd.s32 $0xFFFFF000  }
0x6a: {  	[spmem:s2] =	stream.indirect.scatter.add.f32 [tilespmem:s20], [sflag:$0x2], $0x20, s24, s14, $0xb8;
	[tilespmem:$0x1CB00] =	vst v63  }
0x6b: {  	_ =	swait.ge [sflag:s12], $0x1000  }
0x6c: {  	s29 =	smov.u32 s28;
	[sflag:s12] =	ssyncset.done $0x0  }
0x6d: {  	s28 =	sadd.s32 s26, s9;
	[sflag:s12] =	ssyncadd.s32 $0xFFFFF000  }
0x6e: {  	[tilespmem:s3], [sflag:$0x2] =	stream.linear.gather [hbm4b:s28+s3], $0x200, $0x38;
	[tilespmem:$0x1CB00] =	vst v63  }
0x6f: {  	_ =	swait.ge [sflag:s12], $0x200  }
0x70: {  	[sflag:s12] =	ssyncset.done $0x0  }
0x71: {  	s31 =	sadd.s32 s26, s10;
	[sflag:s12] =	ssyncadd.s32 $0xFFFFFE00  }
0x72: {  	[tilespmem:s13], [sflag:$0x2] =	stream.linear.gather [hbm4b:s31+s3], $0x200, $0x38;
	[tilespmem:$0x1CB00] =	vst v63  }
0x73: {  	_ =	swait.ge [sflag:s12], $0x200  }
0x74: {  	[sflag:s12] =	ssyncset.done $0x0  }
0x75: {  	[sflag:s12] =	ssyncadd.s32 $0xFFFFFE00  }
0x76: {  	[tilespmem:s15], [sflag:$0x1] =	stream.indirect.gather [hbm4b:s4+s14], $0x20, s3, s14, $0xb8;
	[tilespmem:$0x1CB00] =	vst v63  }
0x77: {  	_ = 	snop  }
0x78: {  	[tilespmem:s16], [sflag:$0x1] =	stream.indirect.gather [hbm4b:s4+s14], $0x20, s14, s14, $0xb8;
	[tilespmem:$0x1CB00] =	vst v63  }
0x79: {  	_ = 	snop  }
0x7a: {  	[tilespmem:s18], [sflag:$0x1] =	stream.indirect.gather [hbm4b:s4+s14], $0x20, s17, s14, $0xb8;
	[tilespmem:$0x1CB00] =	vst v63  }
0x7b: {  	_ = 	snop  }
0x7c: {  	[tilespmem:s20], [sflag:$0x1] =	stream.indirect.gather [hbm4b:s4+s14], $0x20, s19, s14, $0xb8;
	[tilespmem:$0x1CB00] =	vst v63  }
0x7d: {  	_ =	swait.ge [sflag:s21], $0x1000  }
0x7e: {  	[sflag:s21] =	ssyncset.done $0x0  }
0x7f: {  	[sflag:s21] =	ssyncadd.s32 $0xFFFFF000  }
0x80: {  	[spmem:s2] =	stream.indirect.scatter.add.f32 [tilespmem:s15], [sflag:$0x2], $0x20, s13, s14, $0xb8;
	[tilespmem:$0x1CB00] =	vst v63  }
0x81: {  	_ =	swait.ge [sflag:s12], $0x1000  }
0x82: {  	[sflag:s12] =	ssyncset.done $0x0  }
0x83: {  	[sflag:s12] =	ssyncadd.s32 $0xFFFFF000  }
0x84: {  	_ =	swait.ge [sflag:s21], $0x1000  }
0x85: {  	[sflag:s21] =	ssyncset.done $0x0  }
0x86: {  	[sflag:s21] =	ssyncadd.s32 $0xFFFFF000  }
0x87: {  	[spmem:s2] =	stream.indirect.scatter.add.f32 [tilespmem:s16], [sflag:$0x2], $0x20, s22, s14, $0xb8;
	[tilespmem:$0x1CB00] =	vst v63  }
0x88: {  	_ =	swait.ge [sflag:s12], $0x1000  }
0x89: {  	[sflag:s12] =	ssyncset.done $0x0  }
0x8a: {  	[sflag:s12] =	ssyncadd.s32 $0xFFFFF000  }
0x8b: {  	_ =	swait.ge [sflag:s21], $0x1000  }
0x8c: {  	[sflag:s21] =	ssyncset.done $0x0  }
0x8d: {  	[sflag:s21] =	ssyncadd.s32 $0xFFFFF000  }
0x8e: {  	[spmem:s2] =	stream.indirect.scatter.add.f32 [tilespmem:s18], [sflag:$0x2], $0x20, s23, s14, $0xb8;
	[tilespmem:$0x1CB00] =	vst v63  }
0x8f: {  	_ =	swait.ge [sflag:s12], $0x1000  }
0x90: {  	[sflag:s12] =	ssyncset.done $0x0  }
0x91: {  	[sflag:s12] =	ssyncadd.s32 $0xFFFFF000  }
0x92: {  	_ =	swait.ge [sflag:s21], $0x1000  }
0x93: {  	[sflag:s21] =	ssyncset.done $0x0  }
0x94: {  	[sflag:s21] =	ssyncadd.s32 $0xFFFFF000  }
0x95: {  	[spmem:s2] =	stream.indirect.scatter.add.f32 [tilespmem:s20], [sflag:$0x2], $0x20, s24, s14, $0xb8;
	[tilespmem:$0x1CB00] =	vst v63  }
0x96: {  	_ =	swait.ge [sflag:s12], $0x1000  }
0x97: {  	s25 =	sadd.s32 $0x1, s25;
	[sflag:s12] =	ssyncset.done $0x0  }
0x98: {  	p0 =	sne.s32 s25, s8;
	[sflag:s12] =	ssyncadd.s32 $0xFFFFF000  }
.Ltmp1:
0x99: {  	[bflag:$0x0] =	sbarrier.arrive $0xFFFF;
	(pc) =	sbr.rel @p0 .LBB2_1-.Ltmp1, $4  }
0x9a: {  	[hbm:s7], [sflag:s6] =	dma.local [spmem:s11], $0x30E0  }
0x9b: {  	_ =	swait.ge [sflag:s12], $0x30E0  }
0x9c: {  	[sflag:s12] =	ssyncset.done $0x0  }
0x9d: {  	[sflag:s12] =	ssyncadd.s32 $0xFFFFCF20  }
0x9e: {  	_ =	sfence.sel $0x180000  }
0x9f: {  	[bflag:$0x0] =	sbarrier.arrive $0xFFFF  }
0xa0: {  	p0 =	sne.s32 s1, $0x0;
	_ =	strace $0x9000004D  }
0xa1: {  	s0 =	sadd.s32 @!p0 $0x100000, s0;
	[bflag:$0x2] =	sbarrier.arrive $0xFFFF  }
0xa2: {  	[sflag:s0] =	ssyncadd.tile.s32 @!p0 $0x1;
	_ =	shalt  }
.Lfunc_end2:
_tile_overlayer_lowered:
.L_overlay_start_2:
0xa3: {  	(tag) =	ssettag $0x2  }
0xa4: {  	s0 =	rddreg [dreg:$0x0];
	s2 =	stileid.u32  }
0xa5: {  	s1 =	rddreg [dreg:$0x1];
	p0 =	sne.s32 s2, $0x0  }
0xa6: {  	s3 =	rddreg [dreg:$0x2];
	[bflag:$0x3] =	sbarrier.arrive $0xFFFF;
	s2 =	simm.s32 @!p0 $0x1C02  }
0xa7: {  	[timem:s3], [sflag:s2] =	dma.local @!p0 [hbm:s0], s1  }
0xa8: {  	s0 =	simm.s32 @!p0 $0x2  }
0xa9: {  	_ =	swait.ge @!p0 [sflag:s0], s1  }
0xaa: {  	s1 =	ssub.s32 @!p0 $0x0, s1;
	[sflag:s0] =	ssyncset.done @!p0 $0x0  }
0xab: {  	[sflag:s0] =	ssyncadd.s32 @!p0 s1  }
0xac: {  	[bflag:$0x3] =	sbarrier.arrive $0xFFFF  }
0xad: {  	_ =	shalt  }

// kernel: kernel.20.cloned.1.call-start
scs
__scs_entry_jumppad:
0x0: {  	(pc) =	sbr.rel $0x88, $3  }
0x1: {  	(tag) =	ssettag $0x0;
	lr =	simm.s32 $0x1  }
0x2: {  	[smem:$0x3F95] =	sst lr;
	_ =	strace $0xD0000000  }
0x3: {  	_ = 	snop  }
0x4: {  	_ = 	snop  }
0x5: {  	_ = 	snop  }
0x6: {  	_ = 	snop  }
0x7: {  	_ = 	snop  }
__scs_overlays_trampoline_lowered:
0x8: {  	[smem:$0x3FA4] =	sst s0  }
0x9: {  	[smem:$0x3FA5] =	sst s1  }
0xa: {  	[smem:$0x3FA6] =	sst s2  }
0xb: {  	[smem:$0x3FA7] =	sst s3  }
0xc: {  	[smem:$0x3FA8] =	sst s4  }
0xd: {  	[smem:$0x3FA9] =	sst s5  }
0xe: {  	[smem:$0x3FAA] =	sst s6  }
0xf: {  	[smem:$0x3FAB] =	sst s7  }
0x10: {  	[smem:$0x3FAC] =	sst s8  }
0x11: {  	[smem:$0x3FAD] =	sst s9;
	s0 =	simm.s32 @!p0 $0x0  }
0x12: {  	s1 =	sld [smem:$0x3F93];
	s0 =	simm.s32 @p0 $0x1  }
0x13: {  	[smem:$0x3FAE] =	sst s0;
	s0 =	simm.s32 @!p1 $0x0  }
0x14: {  	s2 =	sld [smem:$0x3F92];
	s0 =	simm.s32 @p1 $0x1  }
0x15: {  	[smem:$0x3FAF] =	sst s0;
	s0 =	simm.s32 @!p2 $0x0  }
0x16: {  	s3 =	sld [smem:$0x3FDB];
	s0 =	simm.s32 @p2 $0x1  }
0x17: {  	s4 =	simm.s32 $0x1BF5;
	[smem:$0x3FB1] =	sst s0  }
0x18: {  	s0 =	sld [smem:$0x3F94];
	_ =	swait.ge [sflag:s4], $0x0  }
0x19: {  	s7 =	sld [smem:$0x3F95]  }
0x1a: {  	s8 =	sadd.s32 $0xFFFFE003, lr  }
0x1b: {  	s9 =	sadd.s32 $0xFFFFFEF7, lr;
	s5 =	simm.s32 $0xFFFFFFFF;
	p2 =	slt.u32 s8, $0xFFFFF086  }
0x1c: {  	p1 =	slt.u32 s9, $0xF7A;
	s5 =	simm.s32 @!p2 $0x0  }
0x1d: {  	s5 =	simm.s32 @p1 $0x1;
	p0 =	seq.s32 s7, s2  }
0x1e: {  	s7 =	smul.u32 @!p0 $0xF7A, s2;
	p2 =	seq.s32 @!p0 s5, $0x0  }
0x1f: {  	s9 =	smul.u32 $0xF7A, s1;
	s8 =	simm.s32 @!p0 $0x1BF5;
	p2 =	por !p2, p0  }
0x20: {  	[sflag:s8] =	ssyncset.s32 @!p0 $0xFFFFF086;
	s6 =	sadd.s32 @!p0 s3, s7;
	s7 =	simm.s32 @!p0 $0x108  }
0x21: {  	s3 =	sadd.s32 s3, s9;
	s6 =	sadd.s32 @!p0 $0x88, s6;
	s7 =	simm.s32 @p2 $0x1082  }
0x22: {  	[simem:s7], [sflag:s8] =	dma.local @!p0 [hbm:s6], $0xF7A  }
0x23: {  	s9 =	sor.u32 $0xD0000000, s2;
	s6 =	simm.s32 $0x108;
	_ =	swait.ge @!p0 [sflag:s8], $0x0  }
0x24: {  	s3 =	sadd.s32 $0x88, s3;
	s6 =	simm.s32 @!p1 $0x1082;
	[sflag:s4] =	ssyncset.s32 $0xFFFFF086  }
0x25: {  	[simem:s6], [sflag:s4] =	dma.local [hbm:s3], $0xF7A  }
0x26: {  	[smem:$0x3F95] =	sst s1;
	(tag) =	ssettag s2;
	_ =	strace s9  }
0x27: {  	s1 =	sld [smem:$0x3FA5]  }
0x28: {  	s2 =	sld [smem:$0x3FA6]  }
0x29: {  	s4 =	sld [smem:$0x3FA8]  }
0x2a: {  	p0 =	seq.s32 s5, $0x0;
	s5 =	sld [smem:$0x3FA9]  }
0x2b: {  	s6 =	sld [smem:$0x3FAA]  }
0x2c: {  	s7 =	sld [smem:$0x3FAB]  }
0x2d: {  	s3 =	simm.s32 $0x108;
	s8 =	sld [smem:$0x3FAC]  }
0x2e: {  	s3 =	simm.s32 @!p0 $0x1082;
	s9 =	sld [smem:$0x3FAD]  }
0x2f: {  	lr =	sadd.s32 s0, s3;
	s0 =	sld [smem:$0x3FA4]  }
0x30: {  	s3 =	sld [smem:$0x3FA7]  }
0x31: {  	[smem:$0x3FB0] =	sst s10  }
0x32: {  	s10 =	sld [smem:$0x3FAE];
	_ =	sdelay $0x3  }
0x33: {  	p0 =	seq.s32 s10, $0x1;
	s10 =	sld [smem:$0x3FB0];
	_ =	sdelay $0x3  }
0x34: {  	[smem:$0x3FB0] =	sst s10  }
0x35: {  	s10 =	sld [smem:$0x3FAF];
	_ =	sdelay $0x3  }
0x36: {  	p1 =	seq.s32 s10, $0x1;
	s10 =	sld [smem:$0x3FB0];
	_ =	sdelay $0x3  }
0x37: {  	[smem:$0x3FB0] =	sst s10  }
0x38: {  	s10 =	sld [smem:$0x3FB1]  }
0x39: {  	_ = 	snop;
	(pc) =	sbr.ind lr, $3  }
0x3a: {  	_ = 	snop  }
0x3b: {  	_ = 	snop  }
0x3c: {  	p2 =	seq.s32 s10, $0x1;
	s10 =	sld [smem:$0x3FB0]  }
0x3d: {  	_ =	shalt  }
0x3e: {  	_ =	shalt  }
0x3f: {  	_ =	shalt  }
0x40: {  	_ =	shalt  }
0x41: {  	_ =	shalt  }
0x42: {  	_ =	shalt  }
0x43: {  	_ =	shalt  }
0x44: {  	_ =	shalt  }
0x45: {  	_ =	shalt  }
0x46: {  	_ =	shalt  }
0x47: {  	_ =	shalt  }
0x48: {  	_ =	shalt  }
0x49: {  	_ =	shalt  }
0x4a: {  	_ =	shalt  }
0x4b: {  	_ =	shalt  }
0x4c: {  	_ =	shalt  }
0x4d: {  	_ =	shalt  }
0x4e: {  	_ =	shalt  }
0x4f: {  	_ =	shalt  }
0x50: {  	_ =	shalt  }
0x51: {  	_ =	shalt  }
0x52: {  	_ =	shalt  }
0x53: {  	_ =	shalt  }
0x54: {  	_ =	shalt  }
0x55: {  	_ =	shalt  }
0x56: {  	_ =	shalt  }
0x57: {  	_ =	shalt  }
0x58: {  	_ =	shalt  }
0x59: {  	_ =	shalt  }
0x5a: {  	_ =	shalt  }
0x5b: {  	_ =	shalt  }
0x5c: {  	_ =	shalt  }
0x5d: {  	_ =	shalt  }
0x5e: {  	_ =	shalt  }
0x5f: {  	_ =	shalt  }
0x60: {  	_ =	shalt  }
0x61: {  	_ =	shalt  }
0x62: {  	_ =	shalt  }
0x63: {  	_ =	shalt  }
0x64: {  	_ =	shalt  }
0x65: {  	_ =	shalt  }
0x66: {  	_ =	shalt  }
0x67: {  	_ =	shalt  }
0x68: {  	_ =	shalt  }
0x69: {  	_ =	shalt  }
0x6a: {  	_ =	shalt  }
0x6b: {  	_ =	shalt  }
0x6c: {  	_ =	shalt  }
0x6d: {  	_ =	shalt  }
0x6e: {  	_ =	shalt  }
0x6f: {  	_ =	shalt  }
0x70: {  	_ =	shalt  }
0x71: {  	_ =	shalt  }
0x72: {  	_ =	shalt  }
0x73: {  	_ =	shalt  }
0x74: {  	_ =	shalt  }
0x75: {  	_ =	shalt  }
0x76: {  	_ =	shalt  }
0x77: {  	_ =	shalt  }
0x78: {  	_ =	shalt  }
0x79: {  	_ =	shalt  }
0x7a: {  	_ =	shalt  }
0x7b: {  	_ =	shalt  }
0x7c: {  	_ =	shalt  }
0x7d: {  	_ =	shalt  }
0x7e: {  	_ =	shalt  }
0x7f: {  	_ =	shalt  }
0x80: {  	_ =	shalt  }
0x81: {  	_ =	shalt  }
0x82: {  	_ =	shalt  }
0x83: {  	_ =	shalt  }
0x84: {  	_ =	shalt  }
0x85: {  	_ =	shalt  }
0x86: {  	_ =	shalt  }
0x87: {  	_ =	shalt  }
.Lfunc_end0:
.L_simem_size_0:
called_computation.3_lowered:
.L_overlay_start_0:
0x88: {  	s2 =	sld [smem:$0x3FD9]  }
0x89: {  	s3 =	sld [smem:$0x3FFE];
	_ =	sdelay $0x1  }
0x8a: {  	s1 =	srdreg.scid  }
0x8b: {  	s0 =	sand.u32 $0x1, s1  }
0x8c: {  	s16 =	sshll.u32 s0, $0xA;
	s2 =	sadd.s32 s3, s2  }
0x8d: {  	s2 =	sadd.s32 s2, s16  }
0x8e: {  	[smem:$0x3FBC] =	sst s2  }
0x8f: {  	_ = 	snop  }
0x90: {  	(tm) =	ssettm $0x1  }
0x91: {  	s17 =	sld [smem:$0x3FFB];
	_ =	sdelay $0x3  }
0x92: {  	_ =	strace s17  }
0x93: {  	s2 =	sld [smem:$0x3FFC];
	_ =	sdelay $0x3  }
0x94: {  	_ =	strace s2  }
0x95: {  	s2 =	sld [smem:$0x3FFD];
	_ =	sdelay $0x3  }
0x96: {  	_ =	strace s2  }
0x97: {  	_ =	strace $0x8FFFFFFF  }
0x98: {  	s18 =	sld [smem:$0x3FDB];
	_ =	sdelay $0x1  }
0x99: {  	s19 =	simm.s32 $_scs_section_size  }
0x9a: {  	s4 =	simm.s32 $_size__tile_overlayer_lowered;
	s5 =	simm.s32 $_tile_overlayer_lowered  }
0x9b: {  	s22 =	simm.s32 $0x1BFF;
	s21 =	sshll.u32 s5, $0x1;
	s2 =	sadd.s32 s19, s18  }
0x9c: {  	s6 =	simm.s32 $0x0;
	s20 =	sshll.u32 s4, $0x1;
	s4 =	sadd.s32 s21, s2  }
0x9d: {  	[timem:s6], [sflag:s22] =	dma.local [hbm:s4], s20  }
0x9e: {  	_ =	swait.ge [sflag:s22], s20  }
0x9f: {  	s3 =	ssub.s32 $0x0, s20;
	[sflag:s22] =	ssyncset.done $0x0  }
0xa0: {  	[sflag:s22] =	ssyncadd.s32 s3;
	_ =	sdelay $0x1  }
0xa1: {  	s23 =	simm.s32 $0x1B8B  }
0xa2: {  	_ =	swait.ge [sflag:s23], $0x1  }
0xa3: {  	[sflag:s23] =	ssyncset.done $0x0  }
0xa4: {  	s25 =	simm.s32 $0x1B8E;
	s24 =	sld [smem:$0x3FFE];
	[sflag:s23] =	ssyncadd.s32 $0xFFFFFFFF  }
0xa5: {  	s26 =	simm.s32 $execute0_lowered;
	[smem:$0x3FD2] =	sst s25  }
0xa6: {  	s4 =	sshll.u32 s26, $0x1;
	_ =	strace $0x8000004F;
	[dreg:$0x1] =	wrdreg $0xFFFFFFFF  }
0xa7: {  	s28 =	simm.s32 $_size_execute0_lowered;
	s2 =	sadd.s32 s2, s4;
	[dreg:$0x0] =	wrdreg $0x0  }
0xa8: {  	s4 =	sshll.u32 s28, $0x1;
	[dreg:$0x2] =	wrdreg s2  }
0xa9: {  	[dreg:$0x3] =	wrdreg s4  }
0xaa: {  	[dreg:$0x4] =	wrdreg $0xC0  }
0xab: {  	_ =	task [dreg:s6], $0x5FFFF  }
0xac: {  	[dreg:$0x1] =	wrdreg $0xFFFFFFFF  }
0xad: {  	[dreg:$0x0] =	wrdreg $0x60  }
0xae: {  	[dreg:$0x2] =	wrdreg s24  }
0xaf: {  	[dreg:$0x3] =	wrdreg $0x44000  }
0xb0: {  	[dreg:$0x4] =	wrdreg $0x9  }
0xb1: {  	_ =	task.clear_ibuf [dreg:s6], $0x5FFFF;
	_ =	strace $0x9000004F  }
0xb2: {  	s29 =	simm.s32 $0x9;
	_ =	strace $0x80000051  }
0xb3: {  	_ =	swait.ge [sflag:s29], $0x1  }
0xb4: {  	[sflag:s29] =	ssyncadd.s32 $0xFFFFFFFF  }
0xb5: {  	_ =	strace $0x90000051  }
0xb6: {  	_ =	sfence  }
0xb7: {  	s30 =	sld [smem:$0x0];
	_ =	sdelay $0x2  }
0xb8: {  	s31 =	sshll.u32 s1, $0xD;
	s1 =	sshrl.u32 s1, $0x2  }
0xb9: {  	s3 =	sand.u32 $0x4000, s31;
	s1 =	sadd.s32 s1, s30  }
0xba: {  	s0 =	sor.u32 s3, s0;
	s1 =	sshll.u32 s1, $0x11  }
0xbb: {  	s0 =	sor.u32 s1, s0  }
0xbc: {  	s0 =	sadd.s32 $0x8F2B, s0  }
0xbd: {  	[sflag:s0] =	ssyncadd.remote.s32 $0x1  }
0xbe: {  	_ =	sfence.sel $0xFFFF  }
0xbf: {  	[dreg:$0x0] =	wrdreg $0xFFFFFFFF;
	(pc) =	sbr.abs _section_cstart, $3  }
0xc0: {  	[dreg:$0x1] =	wrdreg $0xFFFFFFFF  }
0xc1: {  	_ =	task.clear_ibuf [dreg:s6], $0x2FFFF;
	_ =	strace $0x9FFFFFFF  }
0xc2: {  	(tm) =	ssettm $0x7FFFFFFF  }
0xc3: {  	_ =	shalt  }
tec
execute0_lowered:
.L_overlay_start_1:
0x0: {  	(tag) =	ssettag $0x1  }
0x1: {  	s5 =	rddreg [dreg:$0x0]  }
0x2: {  	s2 =	rddreg [dreg:$0x1]  }
0x3: {  	s1 =	stileid.u32;
	s0 =	rddreg [dreg:$0x2];
	s3 =	simm.s32 $0x0  }
0x4: {  	s4 =	srdreg.scid;
	s13 =	simm.s32 $0x200;
	s14 =	simm.s32 $0x80  }
0x5: {  	s15 =	simm.s32 $0x400;
	s16 =	simm.s32 $0x1400;
	s17 =	simm.s32 $0x100  }
0x6: {  	s18 =	simm.s32 $0x2400;
	s19 =	simm.s32 $0x180;
	s20 =	simm.s32 $0x3400  }
0x7: {  	s21 =	simm.s32 $0x1;
	s22 =	simm.s32 $0x280;
	s23 =	simm.s32 $0x300  }
0x8: {  	s24 =	simm.s32 $0x380;
	s25 =	simm.s32 $0x0;
	s6 =	smul.u32 $0x1880, s1  }
0x9: {  	s7 =	smul.u32 $0x18700, s1;
	[smem:$0x7FF] =	sst s3;
	s8 =	sand.u32 $0x1, s4  }
0xa: {  	s9 =	smul.u32 $0x30E0, s1;
	s4 =	sadd.s32 $0x1AC00, s5;
	s30 =	sshll.u32 s1, $0x6  }
0xb: {  	_ =	strace $0x80000050;
	s10 =	smul.u32 $0x30E00, s8;
	s12 =	ssub.s32 $0x2, s8  }
0xc: {  	s8 =	smul.u32 $0x18800, s8;
	s11 =	sadd.s32 s6, s5;
	s26 =	sshrl.u32 s7, $0x3  }
0xd: {  	s28 =	sshrl.u32 s12, $0x1;
	s29 =	sadd.s32 s7, s2;
	s6 =	sadd.s32 s26, s5  }
0xe: {  	s9 =	sadd.s32 s9, s10;
	s10 =	ssub.s32 s12, s28;
	s31 =	sadd.s32 s8, s11  }
0xf: {  	s12 =	simm.s32 $0x2;
	s9 =	sadd.s32 s9, s5;
	s5 =	sadd.s32 $0x7C800, s6  }
0x10: {  	s6 =	sor.u32 $0x1C02, s30;
	s8 =	smax.u32 s10, $0x1;
	s10 =	sadd.s32 $0x2400, s11  }
0x11: {  	s11 =	sshrl.u32 s29, $0x3;
	s7 =	sadd.s32 $0x1C2200, s9;
	s9 =	sadd.s32 $0xCDC00, s31  }
.LBB2_1:
0x12: {  	[spmem:s11], [sflag:s6] =	dma.local [hbm:s5], $0x30E0  }
0x13: {  	_ =	swait.ge [sflag:s12], $0x30E0  }
0x14: {  	[sflag:s12] =	ssyncset.done $0x0  }
0x15: {  	[sflag:s12] =	ssyncadd.s32 $0xFFFFCF20  }
0x16: {  	s26 =	sadd.s32 $0x0, s9;
	[bflag:$0x0] =	sbarrier.arrive $0xFFFF  }
0x17: {  	[tilespmem:s3], [sflag:$0x2] =	stream.linear.gather [hbm4b:s26+s3], $0x200, $0x38;
	[tilespmem:$0x1CB00] =	vst v63  }
0x18: {  	_ =	swait.ge [sflag:s12], $0x200  }
0x19: {  	[sflag:s12] =	ssyncset.done $0x0  }
0x1a: {  	s31 =	sadd.s32 $0x0, s10;
	[sflag:s12] =	ssyncadd.s32 $0xFFFFFE00  }
0x1b: {  	[tilespmem:s13], [sflag:$0x2] =	stream.linear.gather [hbm4b:s31+s3], $0x200, $0x38;
	[tilespmem:$0x1CB00] =	vst v63  }
0x1c: {  	_ =	swait.ge [sflag:s12], $0x200  }
0x1d: {  	[sflag:s12] =	ssyncset.done $0x0  }
0x1e: {  	[sflag:s12] =	ssyncadd.s32 $0xFFFFFE00  }
0x1f: {  	[tilespmem:s15], [sflag:$0x1] =	stream.indirect.gather [hbm4b:s4+s14], $0x20, s3, s14, $0xb8;
	[tilespmem:$0x1CB00] =	vst v63  }
0x20: {  	_ = 	snop  }
0x21: {  	[tilespmem:s16], [sflag:$0x1] =	stream.indirect.gather [hbm4b:s4+s14], $0x20, s14, s14, $0xb8;
	[tilespmem:$0x1CB00] =	vst v63  }
0x22: {  	_ = 	snop  }
0x23: {  	[tilespmem:s18], [sflag:$0x1] =	stream.indirect.gather [hbm4b:s4+s14], $0x20, s17, s14, $0xb8;
	[tilespmem:$0x1CB00] =	vst v63  }
0x24: {  	_ = 	snop  }
0x25: {  	[tilespmem:s20], [sflag:$0x1] =	stream.indirect.gather [hbm4b:s4+s14], $0x20, s19, s14, $0xb8;
	[tilespmem:$0x1CB00] =	vst v63  }
0x26: {  	_ =	swait.ge [sflag:s21], $0x1000  }
0x27: {  	[sflag:s21] =	ssyncset.done $0x0  }
0x28: {  	[sflag:s21] =	ssyncadd.s32 $0xFFFFF000  }
0x29: {  	[spmem:s2] =	stream.indirect.scatter.add.f32 [tilespmem:s15], [sflag:$0x2], $0x20, s13, s14, $0xb8;
	[tilespmem:$0x1CB00] =	vst v63  }
0x2a: {  	_ =	swait.ge [sflag:s12], $0x1000  }
0x2b: {  	[sflag:s12] =	ssyncset.done $0x0  }
0x2c: {  	[sflag:s12] =	ssyncadd.s32 $0xFFFFF000  }
0x2d: {  	_ =	swait.ge [sflag:s21], $0x1000  }
0x2e: {  	[sflag:s21] =	ssyncset.done $0x0  }
0x2f: {  	[sflag:s21] =	ssyncadd.s32 $0xFFFFF000  }
0x30: {  	[spmem:s2] =	stream.indirect.scatter.add.f32 [tilespmem:s16], [sflag:$0x2], $0x20, s22, s14, $0xb8;
	[tilespmem:$0x1CB00] =	vst v63  }
0x31: {  	_ =	swait.ge [sflag:s12], $0x1000  }
0x32: {  	[sflag:s12] =	ssyncset.done $0x0  }
0x33: {  	[sflag:s12] =	ssyncadd.s32 $0xFFFFF000  }
0x34: {  	_ =	swait.ge [sflag:s21], $0x1000  }
0x35: {  	[sflag:s21] =	ssyncset.done $0x0  }
0x36: {  	[sflag:s21] =	ssyncadd.s32 $0xFFFFF000  }
0x37: {  	[spmem:s2] =	stream.indirect.scatter.add.f32 [tilespmem:s18], [sflag:$0x2], $0x20, s23, s14, $0xb8;
	[tilespmem:$0x1CB00] =	vst v63  }
0x38: {  	_ =	swait.ge [sflag:s12], $0x1000  }
0x39: {  	[sflag:s12] =	ssyncset.done $0x0  }
0x3a: {  	[sflag:s12] =	ssyncadd.s32 $0xFFFFF000  }
0x3b: {  	_ =	swait.ge [sflag:s21], $0x1000  }
0x3c: {  	[sflag:s21] =	ssyncset.done $0x0  }
0x3d: {  	[sflag:s21] =	ssyncadd.s32 $0xFFFFF000  }
0x3e: {  	[spmem:s2] =	stream.indirect.scatter.add.f32 [tilespmem:s20], [sflag:$0x2], $0x20, s24, s14, $0xb8;
	[tilespmem:$0x1CB00] =	vst v63  }
0x3f: {  	_ =	swait.ge [sflag:s12], $0x1000  }
0x40: {  	s29 =	simm.s32 $0x80;
	s26 =	simm.s32 $0x40;
	[sflag:s12] =	ssyncset.done $0x0  }
.LBB2_2:
0x41: {  	s30 =	sadd.s32 s26, s9  }
0x42: {  	[sflag:s12] =	ssyncadd.s32 $0xFFFFF000;
	s31 =	smov.u32 s29;
	s28 =	sadd.s32 $0x40, s29  }
0x43: {  	[tilespmem:s3], [sflag:$0x2] =	stream.linear.gather [hbm4b:s30+s3], $0x200, $0x38;
	[tilespmem:$0x1CB00] =	vst v63  }
0x44: {  	p0 =	sne.s32 s29, $0x1840;
	_ =	swait.ge [sflag:s12], $0x200  }
0x45: {  	[sflag:s12] =	ssyncset.done $0x0  }
0x46: {  	s29 =	sadd.s32 s26, s10;
	s26 =	smov.u32 s31;
	[sflag:s12] =	ssyncadd.s32 $0xFFFFFE00  }
0x47: {  	[tilespmem:s13], [sflag:$0x2] =	stream.linear.gather [hbm4b:s29+s3], $0x200, $0x38;
	[tilespmem:$0x1CB00] =	vst v63  }
0x48: {  	_ =	swait.ge [sflag:s12], $0x200  }
0x49: {  	[sflag:s12] =	ssyncset.done $0x0  }
0x4a: {  	[sflag:s12] =	ssyncadd.s32 $0xFFFFFE00  }
0x4b: {  	[tilespmem:s15], [sflag:$0x1] =	stream.indirect.gather [hbm4b:s4+s14], $0x20, s3, s14, $0xb8;
	[tilespmem:$0x1CB00] =	vst v63  }
0x4c: {  	_ = 	snop  }
0x4d: {  	[tilespmem:s16], [sflag:$0x1] =	stream.indirect.gather [hbm4b:s4+s14], $0x20, s14, s14, $0xb8;
	[tilespmem:$0x1CB00] =	vst v63  }
0x4e: {  	_ = 	snop  }
0x4f: {  	[tilespmem:s18], [sflag:$0x1] =	stream.indirect.gather [hbm4b:s4+s14], $0x20, s17, s14, $0xb8;
	[tilespmem:$0x1CB00] =	vst v63  }
0x50: {  	_ = 	snop  }
0x51: {  	[tilespmem:s20], [sflag:$0x1] =	stream.indirect.gather [hbm4b:s4+s14], $0x20, s19, s14, $0xb8;
	[tilespmem:$0x1CB00] =	vst v63  }
0x52: {  	_ =	swait.ge [sflag:s21], $0x1000  }
0x53: {  	[sflag:s21] =	ssyncset.done $0x0  }
0x54: {  	[sflag:s21] =	ssyncadd.s32 $0xFFFFF000  }
0x55: {  	[spmem:s2] =	stream.indirect.scatter.add.f32 [tilespmem:s15], [sflag:$0x2], $0x20, s13, s14, $0xb8;
	[tilespmem:$0x1CB00] =	vst v63  }
0x56: {  	_ =	swait.ge [sflag:s12], $0x1000  }
0x57: {  	[sflag:s12] =	ssyncset.done $0x0  }
0x58: {  	[sflag:s12] =	ssyncadd.s32 $0xFFFFF000  }
0x59: {  	_ =	swait.ge [sflag:s21], $0x1000  }
0x5a: {  	[sflag:s21] =	ssyncset.done $0x0  }
0x5b: {  	[sflag:s21] =	ssyncadd.s32 $0xFFFFF000  }
0x5c: {  	[spmem:s2] =	stream.indirect.scatter.add.f32 [tilespmem:s16], [sflag:$0x2], $0x20, s22, s14, $0xb8;
	[tilespmem:$0x1CB00] =	vst v63  }
0x5d: {  	_ =	swait.ge [sflag:s12], $0x1000  }
0x5e: {  	[sflag:s12] =	ssyncset.done $0x0  }
0x5f: {  	[sflag:s12] =	ssyncadd.s32 $0xFFFFF000  }
0x60: {  	_ =	swait.ge [sflag:s21], $0x1000  }
0x61: {  	[sflag:s21] =	ssyncset.done $0x0  }
0x62: {  	[sflag:s21] =	ssyncadd.s32 $0xFFFFF000  }
0x63: {  	[spmem:s2] =	stream.indirect.scatter.add.f32 [tilespmem:s18], [sflag:$0x2], $0x20, s23, s14, $0xb8;
	[tilespmem:$0x1CB00] =	vst v63  }
0x64: {  	_ =	swait.ge [sflag:s12], $0x1000  }
0x65: {  	[sflag:s12] =	ssyncset.done $0x0  }
0x66: {  	[sflag:s12] =	ssyncadd.s32 $0xFFFFF000  }
0x67: {  	_ =	swait.ge [sflag:s21], $0x1000  }
.Ltmp0:
0x68: {  	[sflag:s21] =	ssyncset.done $0x0;
	(pc) =	sbr.rel @p0 .LBB2_2-.Ltmp0, $4  }
0x69: {  	[sflag:s21] =	ssyncadd.s32 $0xFFFFF000  }
0x6a: {  	[spmem:s2] =	stream.indirect.scatter.add.f32 [tilespmem:s20], [sflag:$0x2], $0x20, s24, s14, $0xb8;
	[tilespmem:$0x1CB00] =	vst v63  }
0x6b: {  	_ =	swait.ge [sflag:s12], $0x1000  }
0x6c: {  	s29 =	smov.u32 s28;
	[sflag:s12] =	ssyncset.done $0x0  }
0x6d: {  	s28 =	sadd.s32 s26, s9;
	[sflag:s12] =	ssyncadd.s32 $0xFFFFF000  }
0x6e: {  	[tilespmem:s3], [sflag:$0x2] =	stream.linear.gather [hbm4b:s28+s3], $0x200, $0x38;
	[tilespmem:$0x1CB00] =	vst v63  }
0x6f: {  	_ =	swait.ge [sflag:s12], $0x200  }
0x70: {  	[sflag:s12] =	ssyncset.done $0x0  }
0x71: {  	s31 =	sadd.s32 s26, s10;
	[sflag:s12] =	ssyncadd.s32 $0xFFFFFE00  }
0x72: {  	[tilespmem:s13], [sflag:$0x2] =	stream.linear.gather [hbm4b:s31+s3], $0x200, $0x38;
	[tilespmem:$0x1CB00] =	vst v63  }
0x73: {  	_ =	swait.ge [sflag:s12], $0x200  }
0x74: {  	[sflag:s12] =	ssyncset.done $0x0  }
0x75: {  	[sflag:s12] =	ssyncadd.s32 $0xFFFFFE00  }
0x76: {  	[tilespmem:s15], [sflag:$0x1] =	stream.indirect.gather [hbm4b:s4+s14], $0x20, s3, s14, $0xb8;
	[tilespmem:$0x1CB00] =	vst v63  }
0x77: {  	_ = 	snop  }
0x78: {  	[tilespmem:s16], [sflag:$0x1] =	stream.indirect.gather [hbm4b:s4+s14], $0x20, s14, s14, $0xb8;
	[tilespmem:$0x1CB00] =	vst v63  }
0x79: {  	_ = 	snop  }
0x7a: {  	[tilespmem:s18], [sflag:$0x1] =	stream.indirect.gather [hbm4b:s4+s14], $0x20, s17, s14, $0xb8;
	[tilespmem:$0x1CB00] =	vst v63  }
0x7b: {  	_ = 	snop  }
0x7c: {  	[tilespmem:s20], [sflag:$0x1] =	stream.indirect.gather [hbm4b:s4+s14], $0x20, s19, s14, $0xb8;
	[tilespmem:$0x1CB00] =	vst v63  }
0x7d: {  	_ =	swait.ge [sflag:s21], $0x1000  }
0x7e: {  	[sflag:s21] =	ssyncset.done $0x0  }
0x7f: {  	[sflag:s21] =	ssyncadd.s32 $0xFFFFF000  }
0x80: {  	[spmem:s2] =	stream.indirect.scatter.add.f32 [tilespmem:s15], [sflag:$0x2], $0x20, s13, s14, $0xb8;
	[tilespmem:$0x1CB00] =	vst v63  }
0x81: {  	_ =	swait.ge [sflag:s12], $0x1000  }
0x82: {  	[sflag:s12] =	ssyncset.done $0x0  }
0x83: {  	[sflag:s12] =	ssyncadd.s32 $0xFFFFF000  }
0x84: {  	_ =	swait.ge [sflag:s21], $0x1000  }
0x85: {  	[sflag:s21] =	ssyncset.done $0x0  }
0x86: {  	[sflag:s21] =	ssyncadd.s32 $0xFFFFF000  }
0x87: {  	[spmem:s2] =	stream.indirect.scatter.add.f32 [tilespmem:s16], [sflag:$0x2], $0x20, s22, s14, $0xb8;
	[tilespmem:$0x1CB00] =	vst v63  }
0x88: {  	_ =	swait.ge [sflag:s12], $0x1000  }
0x89: {  	[sflag:s12] =	ssyncset.done $0x0  }
0x8a: {  	[sflag:s12] =	ssyncadd.s32 $0xFFFFF000  }
0x8b: {  	_ =	swait.ge [sflag:s21], $0x1000  }
0x8c: {  	[sflag:s21] =	ssyncset.done $0x0  }
0x8d: {  	[sflag:s21] =	ssyncadd.s32 $0xFFFFF000  }
0x8e: {  	[spmem:s2] =	stream.indirect.scatter.add.f32 [tilespmem:s18], [sflag:$0x2], $0x20, s23, s14, $0xb8;
	[tilespmem:$0x1CB00] =	vst v63  }
0x8f: {  	_ =	swait.ge [sflag:s12], $0x1000  }
0x90: {  	[sflag:s12] =	ssyncset.done $0x0  }
0x91: {  	[sflag:s12] =	ssyncadd.s32 $0xFFFFF000  }
0x92: {  	_ =	swait.ge [sflag:s21], $0x1000  }
0x93: {  	[sflag:s21] =	ssyncset.done $0x0  }
0x94: {  	[sflag:s21] =	ssyncadd.s32 $0xFFFFF000  }
0x95: {  	[spmem:s2] =	stream.indirect.scatter.add.f32 [tilespmem:s20], [sflag:$0x2], $0x20, s24, s14, $0xb8;
	[tilespmem:$0x1CB00] =	vst v63  }
0x96: {  	_ =	swait.ge [sflag:s12], $0x1000  }
0x97: {  	s25 =	sadd.s32 $0x1, s25;
	[sflag:s12] =	ssyncset.done $0x0  }
0x98: {  	p0 =	sne.s32 s25, s8;
	[sflag:s12] =	ssyncadd.s32 $0xFFFFF000  }
.Ltmp1:
0x99: {  	[bflag:$0x0] =	sbarrier.arrive $0xFFFF;
	(pc) =	sbr.rel @p0 .LBB2_1-.Ltmp1, $4  }
0x9a: {  	[hbm:s7], [sflag:s6] =	dma.local [spmem:s11], $0x30E0  }
0x9b: {  	_ =	swait.ge [sflag:s12], $0x30E0  }
0x9c: {  	[sflag:s12] =	ssyncset.done $0x0  }
0x9d: {  	[sflag:s12] =	ssyncadd.s32 $0xFFFFCF20  }
0x9e: {  	_ =	sfence.sel $0x180000  }
0x9f: {  	[bflag:$0x0] =	sbarrier.arrive $0xFFFF  }
0xa0: {  	p0 =	sne.s32 s1, $0x0;
	_ =	strace $0x90000050  }
0xa1: {  	s0 =	sadd.s32 @!p0 $0x100000, s0;
	[bflag:$0x2] =	sbarrier.arrive $0xFFFF  }
0xa2: {  	[sflag:s0] =	ssyncadd.tile.s32 @!p0 $0x1;
	_ =	shalt  }
.Lfunc_end2:
_tile_overlayer_lowered:
.L_overlay_start_2:
0xa3: {  	(tag) =	ssettag $0x2  }
0xa4: {  	s0 =	rddreg [dreg:$0x0];
	s2 =	stileid.u32  }
0xa5: {  	s1 =	rddreg [dreg:$0x1];
	p0 =	sne.s32 s2, $0x0  }
0xa6: {  	s3 =	rddreg [dreg:$0x2];
	[bflag:$0x3] =	sbarrier.arrive $0xFFFF;
	s2 =	simm.s32 @!p0 $0x1C02  }
0xa7: {  	[timem:s3], [sflag:s2] =	dma.local @!p0 [hbm:s0], s1  }
0xa8: {  	s0 =	simm.s32 @!p0 $0x2  }
0xa9: {  	_ =	swait.ge @!p0 [sflag:s0], s1  }
0xaa: {  	s1 =	ssub.s32 @!p0 $0x0, s1;
	[sflag:s0] =	ssyncset.done @!p0 $0x0  }
0xab: {  	[sflag:s0] =	ssyncadd.s32 @!p0 s1  }
0xac: {  	[bflag:$0x3] =	sbarrier.arrive $0xFFFF  }
0xad: {  	_ =	shalt  }

</sc_bundles>
